<compile_context>
chip_gen: v7x
topology: tpu7x:2x2x1
jax: 0.10.2.dev20260603
libtpu: 0.0.44.dev20260713+nightly
codegen_flags: <defaults>
</compile_context>

<pallas_src>
import functools

import jax
import jax.numpy as jnp
from jax import lax
from jax.experimental import pallas as pl
from jax.experimental.pallas import tpu as pltpu
from jax.experimental.pallas import tpu_sc as plsc

_BATCH = 16384
_EMB = 64
_HID = 32

_NC = 2
_NS = 16
_NW = _NC * _NS
_BPW = _BATCH // _NW
_CHUNK = _BPW // 2


@functools.cache
def _make_sc_gather(nrows):
    bpw = nrows // _NW
    chunk = min(bpw, _CHUNK)

    @functools.partial(
        pl.kernel,
        mesh=plsc.VectorSubcoreMesh(
            core_axis_name="c", subcore_axis_name="s",
            num_cores=_NC, num_subcores=_NS,
        ),
        out_type=jax.ShapeDtypeStruct((nrows, 2 * _EMB), jnp.float32),
        scratch_types=[
            pltpu.VMEM((bpw,), jnp.int32),
            pltpu.VMEM((chunk, 2 * _EMB), jnp.float32),
            pltpu.VMEM((bpw,), jnp.int32),
            pltpu.VMEM((chunk, 2 * _EMB), jnp.float32),
            pltpu.SemaphoreType.DMA,
            pltpu.SemaphoreType.DMA,
        ],
        compiler_params=pltpu.CompilerParams(use_tc_tiling_on_sc=False),
    )
    def sc_gather(user_hbm, quiz_hbm, xt_hbm, x_out,
                  uidx_v, urows_v, qidx_v, qrows_v, sem_u, sem_q):
        wid = lax.axis_index("s") * _NC + lax.axis_index("c")
        base = wid * bpw
        pltpu.sync_copy(user_hbm.at[pl.ds(base, bpw)], uidx_v)
        pltpu.sync_copy(quiz_hbm.at[pl.ds(base, bpw)], qidx_v)
        for k in range(bpw // chunk):
            off = k * chunk
            cu = pltpu.async_copy(
                xt_hbm.at[uidx_v.at[pl.ds(off, chunk)]], urows_v, sem_u)
            cq = pltpu.async_copy(
                xt_hbm.at[qidx_v.at[pl.ds(off, chunk)]], qrows_v, sem_q)
            cu.wait()
            pltpu.sync_copy(urows_v.at[:, pl.ds(0, _EMB)],
                            x_out.at[pl.ds(base + off, chunk), pl.ds(0, _EMB)])
            cq.wait()
            pltpu.sync_copy(qrows_v.at[:, pl.ds(_EMB, _EMB)],
                            x_out.at[pl.ds(base + off, chunk),
                                     pl.ds(_EMB, _EMB)])

    return sc_gather


def _merge_body(u_ref, q_ref, out_ref):
    eye = jnp.eye(_EMB, dtype=jnp.float32)
    dn = (((0,), (0,)), ((), ()))
    ut = lax.dot_general(u_ref[...], eye, dn,
                         preferred_element_type=jnp.float32)
    qt = lax.dot_general(q_ref[...], eye, dn,
                         preferred_element_type=jnp.float32)
    out_ref[...] = jnp.concatenate([ut, qt], axis=1)


_MERGE_BLK = 8192


def _merge(uT, qT):
    n = uT.shape[1]
    grid = (pl.cdiv(n, _MERGE_BLK),)
    return pl.pallas_call(
        _merge_body,
        grid=grid,
        in_specs=[
            pl.BlockSpec((_EMB, _MERGE_BLK), lambda i: (0, i)),
            pl.BlockSpec((_EMB, _MERGE_BLK), lambda i: (0, i)),
        ],
        out_specs=pl.BlockSpec((_MERGE_BLK, 2 * _EMB), lambda i: (i, 0)),
        out_shape=jax.ShapeDtypeStruct((n, 2 * _EMB), jnp.float32),
    )(uT, qT)


def _mlp_body(x_ref, t_ref, w1_ref, w1t_ref, b1_ref, w2_ref, b2_ref, out_ref):
    h = (
        jnp.dot(x_ref[...], w1_ref[...], preferred_element_type=jnp.float32)
        + t_ref[...] * w1t_ref[...]
        + b1_ref[...]
    )
    h = jnp.maximum(h, 0.0)
    o = jnp.dot(h, w2_ref[...], preferred_element_type=jnp.float32) + b2_ref[...]
    s = 1.0 / (1.0 + jnp.exp(-o))
    out_ref[...] = s[:, 0].reshape(_MLP_BLK // 128, 128)


_MLP_BLK = 2048


def _mlp(x, time, W1x, W1t, b1, W2, b2):
    nrows = x.shape[0]
    grid = (nrows // _MLP_BLK,)
    full = lambda shape: pl.BlockSpec(shape, lambda i: (0, 0))
    return pl.pallas_call(
        _mlp_body,
        grid=grid,
        in_specs=[
            pl.BlockSpec((_MLP_BLK, 2 * _EMB), lambda i: (i, 0)),
            pl.BlockSpec((_MLP_BLK, 1), lambda i: (i, 0)),
            full((2 * _EMB, _HID)),
            full((1, _HID)),
            full((1, _HID)),
            full((_HID, 1)),
            full((1, 1)),
        ],
        out_specs=pl.BlockSpec((_MLP_BLK // 128, 128), lambda i: (i, 0)),
        out_shape=jax.ShapeDtypeStruct((nrows // 128, 128), jnp.float32),
    )(x, time, W1x, W1t, b1, W2, b2)


def kernel(user, quiz, time, user_table, quiz_table, W1, b1, W2, b2):
    xt = _merge(user_table.T, quiz_table.T)
    half = _BATCH // 2
    gather = _make_sc_gather(half)
    W1x = W1[:2 * _EMB]
    W1t = W1[2 * _EMB:]
    b1r = b1.reshape(1, _HID)
    b2r = b2.reshape(1, 1)
    outs = []
    for s in (0, 1):
        xh = gather(user[s * half:(s + 1) * half],
                    quiz[s * half:(s + 1) * half], xt)
        outs.append(_mlp(xh, time[s * half:(s + 1) * half],
                         W1x, W1t, b1r, W2, b2r))
    return jnp.concatenate(outs, axis=0).reshape(_BATCH)

# --- scband reference (transcript-rebuilt; emitter-appended) ---
"""Pipeline reference for scband-quiz-rec-model-19808389169929 (READ-ONLY COPY).

The authoritative reference and input builder live on the scoring server;
editing this copy changes nothing except your own understanding.
"""

import jax, jax.numpy as jnp
import numpy as np

N_USERS = 100000
N_QUIZZES = 100000
EMB_DIM = 64
BATCH = 16384
HIDDEN = 32

def setup_inputs(seed: int = 0) -> dict:
    key = jax.random.key(seed)
    ks = jax.random.split(key, 9)
    user = jax.random.randint(ks[0], (BATCH,), 0, N_USERS, dtype=jnp.int64 if jax.config.jax_enable_x64 else jnp.int32).astype(jnp.int32)
    quiz = jax.random.randint(ks[1], (BATCH,), 0, N_QUIZZES, dtype=jnp.int64 if jax.config.jax_enable_x64 else jnp.int32).astype(jnp.int32)
    time = jax.random.uniform(ks[2], (BATCH, 1), dtype=jnp.float32)
    user_table = jax.random.normal(ks[3], (N_USERS, EMB_DIM), dtype=jnp.float32) * 0.02
    quiz_table = jax.random.normal(ks[4], (N_QUIZZES, EMB_DIM), dtype=jnp.float32) * 0.02
    W1 = jax.random.normal(ks[5], (EMB_DIM * 2 + 1, HIDDEN), dtype=jnp.float32) * 0.05
    b1 = jnp.zeros((HIDDEN,), dtype=jnp.float32)
    W2 = jax.random.normal(ks[6], (HIDDEN, 1), dtype=jnp.float32) * 0.05
    b2 = jnp.zeros((1,), dtype=jnp.float32)
    return {"user": user, "quiz": quiz, "time": time,
            "user_table": user_table, "quiz_table": quiz_table,
            "W1": W1, "b1": b1, "W2": W2, "b2": b2}

def reference(user, quiz, time, user_table, quiz_table, W1, b1, W2, b2):
    u = jnp.take(user_table, user, axis=0)
    q = jnp.take(quiz_table, quiz, axis=0)
    x = jnp.concatenate([u, q, time], axis=1)
    h = jax.nn.relu(x @ W1 + b1)
    out = jax.nn.sigmoid(h @ W2 + b2)
    return out.squeeze(1)

if __name__ == "__main__":
    import jax
    _d = setup_inputs()
    print(jax.jit(kernel)(*tuple(_d.values())))

</pallas_src>

<mosaic_0001>
#map = affine_map<(d0, d1) -> (0)>
#map1 = affine_map<(d0, d1) -> (0, 0)>
module attributes {stable_mosaic.version = 14 : i64} {
  func.func @sc_gather(%arg0: i32, %arg1: i32, %arg2: memref<8192xi32, #tpu.memory_space<hbm>>, %arg3: memref<8192xi32, #tpu.memory_space<hbm>>, %arg4: memref<100000x128xf32, #tpu.memory_space<hbm>>, %arg5: memref<8192x128xf32, #tpu.memory_space<hbm>>, %arg6: memref<256xi32, #tpu.memory_space<vmem>>, %arg7: memref<256x128xf32, #tpu.memory_space<vmem>>, %arg8: memref<256xi32, #tpu.memory_space<vmem>>, %arg9: memref<256x128xf32, #tpu.memory_space<vmem>>, %arg10: memref<!tpu.dma_semaphore, #tpu.memory_space<semaphore_mem>>, %arg11: memref<!tpu.dma_semaphore, #tpu.memory_space<semaphore_mem>>) attributes {dimension_semantics = [#tpu.dimension_semantics<core_parallel>, #tpu.dimension_semantics<subcore_parallel>], iteration_bounds = array<i64: 2, 16>, scalar_prefetch = 0 : i64, scratch_operands = 6 : i64, tpu.core_type = #tpu.core_type<sc_vector_subcore>, window_params = [{transform_indices = #map}, {transform_indices = #map}, {transform_indices = #map1}, {transform_indices = #map1}]} {
    %mul3A = arith.constant 2 : i32
    %mul3A_0 = arith.muli %arg1, %mul3A : i32
    %add3A = arith.addi %mul3A_0, %arg0 : i32
    %mul3A_1 = arith.constant 256 : i32
    %mul3A_2 = arith.muli %add3A, %mul3A_1 : i32
    "tpu.region"() ({
      %run_scoped3A = tpu.sem_alloc : memref<!tpu.dma_semaphore, #tpu.memory_space<semaphore_mem>>
      %dma_start3A_25 = tpu.memref_slice %arg2[%mul3A_2] : memref<8192xi32, #tpu.memory_space<hbm>> -> memref<256xi32, #tpu.memory_space<hbm>>
      %dma_start3A_26 = tpu.memref_slice %arg2[%mul3A_2] : memref<8192xi32, #tpu.memory_space<hbm>> -> memref<256xi32, #tpu.memory_space<hbm>>
      tpu.enqueue_dma source(%dma_start3A_26 : memref<256xi32, #tpu.memory_space<hbm>>) target(%arg6 : memref<256xi32, #tpu.memory_space<vmem>>) target_semaphore(%run_scoped3A : memref<!tpu.dma_semaphore, #tpu.memory_space<semaphore_mem>>)
      %dma_wait3A_27 = tpu.memref_slice %arg2[%mul3A_2] : memref<8192xi32, #tpu.memory_space<hbm>> -> memref<256xi32, #tpu.memory_space<hbm>>
      %dma_wait3A_28 = tpu.memref_slice %arg2[%mul3A_2] : memref<8192xi32, #tpu.memory_space<hbm>> -> memref<256xi32, #tpu.memory_space<hbm>>
      tpu.wait_dma2 semaphore(%run_scoped3A : memref<!tpu.dma_semaphore, #tpu.memory_space<semaphore_mem>>) src(%dma_wait3A_28 : memref<256xi32, #tpu.memory_space<hbm>>) dst(%arg6 : memref<256xi32, #tpu.memory_space<vmem>>)
      tpu.yield
    }) : () -> ()
    "tpu.region"() ({
      %run_scoped3A = tpu.sem_alloc : memref<!tpu.dma_semaphore, #tpu.memory_space<semaphore_mem>>
      %dma_start3A_25 = tpu.memref_slice %arg3[%mul3A_2] : memref<8192xi32, #tpu.memory_space<hbm>> -> memref<256xi32, #tpu.memory_space<hbm>>
      %dma_start3A_26 = tpu.memref_slice %arg3[%mul3A_2] : memref<8192xi32, #tpu.memory_space<hbm>> -> memref<256xi32, #tpu.memory_space<hbm>>
      tpu.enqueue_dma source(%dma_start3A_26 : memref<256xi32, #tpu.memory_space<hbm>>) target(%arg8 : memref<256xi32, #tpu.memory_space<vmem>>) target_semaphore(%run_scoped3A : memref<!tpu.dma_semaphore, #tpu.memory_space<semaphore_mem>>)
      %dma_wait3A_27 = tpu.memref_slice %arg3[%mul3A_2] : memref<8192xi32, #tpu.memory_space<hbm>> -> memref<256xi32, #tpu.memory_space<hbm>>
      %dma_wait3A_28 = tpu.memref_slice %arg3[%mul3A_2] : memref<8192xi32, #tpu.memory_space<hbm>> -> memref<256xi32, #tpu.memory_space<hbm>>
      tpu.wait_dma2 semaphore(%run_scoped3A : memref<!tpu.dma_semaphore, #tpu.memory_space<semaphore_mem>>) src(%dma_wait3A_28 : memref<256xi32, #tpu.memory_space<hbm>>) dst(%arg8 : memref<256xi32, #tpu.memory_space<vmem>>)
      tpu.yield
    }) : () -> ()
    %dma_start3A = arith.constant 0 : i32
    %dma_start3A_3 = tpu.memref_slice %arg6[%dma_start3A] : memref<256xi32, #tpu.memory_space<vmem>> -> memref<256xi32, #tpu.memory_space<vmem>>
    %dma_start3A_4 = arith.constant 0 : i32
    %dma_start3A_5 = arith.constant 0 : i32
    %dma_start3A_6 = tpu.memref_slice %arg4[%dma_start3A_4, %dma_start3A_5] : memref<100000x128xf32, #tpu.memory_space<hbm>> -> memref<100000x128xf32, #tpu.memory_space<hbm>>
    tpu.enqueue_indirect_dma source(%dma_start3A_6 : memref<100000x128xf32, #tpu.memory_space<hbm>>) target(%arg7 : memref<256x128xf32, #tpu.memory_space<vmem>>) offsets(%dma_start3A_3 : memref<256xi32, #tpu.memory_space<vmem>>) semaphore(%arg10 : memref<!tpu.dma_semaphore, #tpu.memory_space<semaphore_mem>>)
    %dma_start3A_7 = arith.constant 0 : i32
    %dma_start3A_8 = tpu.memref_slice %arg8[%dma_start3A_7] : memref<256xi32, #tpu.memory_space<vmem>> -> memref<256xi32, #tpu.memory_space<vmem>>
    %dma_start3A_9 = arith.constant 0 : i32
    %dma_start3A_10 = arith.constant 0 : i32
    %dma_start3A_11 = tpu.memref_slice %arg4[%dma_start3A_9, %dma_start3A_10] : memref<100000x128xf32, #tpu.memory_space<hbm>> -> memref<100000x128xf32, #tpu.memory_space<hbm>>
    tpu.enqueue_indirect_dma source(%dma_start3A_11 : memref<100000x128xf32, #tpu.memory_space<hbm>>) target(%arg9 : memref<256x128xf32, #tpu.memory_space<vmem>>) offsets(%dma_start3A_8 : memref<256xi32, #tpu.memory_space<vmem>>) semaphore(%arg11 : memref<!tpu.dma_semaphore, #tpu.memory_space<semaphore_mem>>)
    %dma_wait3A = arith.constant 0 : i32
    %dma_wait3A_12 = tpu.memref_slice %arg6[%dma_wait3A] : memref<256xi32, #tpu.memory_space<vmem>> -> memref<256xi32, #tpu.memory_space<vmem>>
    %dma_wait3A_13 = arith.constant 0 : i32
    %dma_wait3A_14 = arith.constant 0 : i32
    %dma_wait3A_15 = tpu.memref_slice %arg4[%dma_wait3A_13, %dma_wait3A_14] : memref<100000x128xf32, #tpu.memory_space<hbm>> -> memref<100000x128xf32, #tpu.memory_space<hbm>>
    tpu.wait_indirect_dma semaphore(%arg10 : memref<!tpu.dma_semaphore, #tpu.memory_space<semaphore_mem>>) src(%dma_wait3A_15 : memref<100000x128xf32, #tpu.memory_space<hbm>>) dst(%arg7 : memref<256x128xf32, #tpu.memory_space<vmem>>)
    %add3A_16 = arith.constant 0 : i32
    %add3A_17 = arith.addi %mul3A_2, %add3A_16 : i32
    "tpu.region"() ({
      %run_scoped3A = tpu.sem_alloc : memref<!tpu.dma_semaphore, #tpu.memory_space<semaphore_mem>>
      %dma_start3A_25 = arith.constant 0 : i32
      %dma_start3A_26 = arith.constant 0 : i32
      %dma_start3A_27 = tpu.memref_slice %arg7[%dma_start3A_25, %dma_start3A_26] : memref<256x128xf32, #tpu.memory_space<vmem>> -> memref<256x64xf32, #tpu.memory_space<vmem>>
      %dma_start3A_28 = arith.constant 0 : i32
      %dma_start3A_29 = tpu.memref_slice %arg5[%add3A_17, %dma_start3A_28] : memref<8192x128xf32, #tpu.memory_space<hbm>> -> memref<256x64xf32, #tpu.memory_space<hbm>>
      %dma_start3A_30 = arith.constant 0 : i32
      %dma_start3A_31 = tpu.memref_slice %arg5[%add3A_17, %dma_start3A_30] : memref<8192x128xf32, #tpu.memory_space<hbm>> -> memref<256x64xf32, #tpu.memory_space<hbm>>
      %dma_start3A_32 = arith.constant 0 : i32
      %dma_start3A_33 = arith.constant 0 : i32
      %dma_start3A_34 = tpu.memref_slice %arg7[%dma_start3A_32, %dma_start3A_33] : memref<256x128xf32, #tpu.memory_space<vmem>> -> memref<256x64xf32, #tpu.memory_space<vmem>>
      tpu.enqueue_dma source(%dma_start3A_34 : memref<256x64xf32, #tpu.memory_space<vmem>>) target(%dma_start3A_31 : memref<256x64xf32, #tpu.memory_space<hbm>>) target_semaphore(%run_scoped3A : memref<!tpu.dma_semaphore, #tpu.memory_space<semaphore_mem>>)
      %dma_wait3A_35 = arith.constant 0 : i32
      %dma_wait3A_36 = arith.constant 0 : i32
      %dma_wait3A_37 = tpu.memref_slice %arg7[%dma_wait3A_35, %dma_wait3A_36] : memref<256x128xf32, #tpu.memory_space<vmem>> -> memref<256x64xf32, #tpu.memory_space<vmem>>
      %dma_wait3A_38 = arith.constant 0 : i32
      %dma_wait3A_39 = tpu.memref_slice %arg5[%add3A_17, %dma_wait3A_38] : memref<8192x128xf32, #tpu.memory_space<hbm>> -> memref<256x64xf32, #tpu.memory_space<hbm>>
      %dma_wait3A_40 = arith.constant 0 : i32
      %dma_wait3A_41 = tpu.memref_slice %arg5[%add3A_17, %dma_wait3A_40] : memref<8192x128xf32, #tpu.memory_space<hbm>> -> memref<256x64xf32, #tpu.memory_space<hbm>>
      %dma_wait3A_42 = arith.constant 0 : i32
      %dma_wait3A_43 = arith.constant 0 : i32
      %dma_wait3A_44 = tpu.memref_slice %arg7[%dma_wait3A_42, %dma_wait3A_43] : memref<256x128xf32, #tpu.memory_space<vmem>> -> memref<256x64xf32, #tpu.memory_space<vmem>>
      tpu.wait_dma2 semaphore(%run_scoped3A : memref<!tpu.dma_semaphore, #tpu.memory_space<semaphore_mem>>) src(%dma_wait3A_44 : memref<256x64xf32, #tpu.memory_space<vmem>>) dst(%dma_wait3A_41 : memref<256x64xf32, #tpu.memory_space<hbm>>)
      tpu.yield
    }) : () -> ()
    %dma_wait3A_18 = arith.constant 0 : i32
    %dma_wait3A_19 = tpu.memref_slice %arg8[%dma_wait3A_18] : memref<256xi32, #tpu.memory_space<vmem>> -> memref<256xi32, #tpu.memory_space<vmem>>
    %dma_wait3A_20 = arith.constant 0 : i32
    %dma_wait3A_21 = arith.constant 0 : i32
    %dma_wait3A_22 = tpu.memref_slice %arg4[%dma_wait3A_20, %dma_wait3A_21] : memref<100000x128xf32, #tpu.memory_space<hbm>> -> memref<100000x128xf32, #tpu.memory_space<hbm>>
    tpu.wait_indirect_dma semaphore(%arg11 : memref<!tpu.dma_semaphore, #tpu.memory_space<semaphore_mem>>) src(%dma_wait3A_22 : memref<100000x128xf32, #tpu.memory_space<hbm>>) dst(%arg9 : memref<256x128xf32, #tpu.memory_space<vmem>>)
    %add3A_23 = arith.constant 0 : i32
    %add3A_24 = arith.addi %mul3A_2, %add3A_23 : i32
    "tpu.region"() ({
      %run_scoped3A = tpu.sem_alloc : memref<!tpu.dma_semaphore, #tpu.memory_space<semaphore_mem>>
      %dma_start3A_25 = arith.constant 0 : i32
      %dma_start3A_26 = arith.constant 64 : i32
      %dma_start3A_27 = tpu.memref_slice %arg9[%dma_start3A_25, %dma_start3A_26] : memref<256x128xf32, #tpu.memory_space<vmem>> -> memref<256x64xf32, #tpu.memory_space<vmem>>
      %dma_start3A_28 = arith.constant 64 : i32
      %dma_start3A_29 = tpu.memref_slice %arg5[%add3A_24, %dma_start3A_28] : memref<8192x128xf32, #tpu.memory_space<hbm>> -> memref<256x64xf32, #tpu.memory_space<hbm>>
      %dma_start3A_30 = arith.constant 64 : i32
      %dma_start3A_31 = tpu.memref_slice %arg5[%add3A_24, %dma_start3A_30] : memref<8192x128xf32, #tpu.memory_space<hbm>> -> memref<256x64xf32, #tpu.memory_space<hbm>>
      %dma_start3A_32 = arith.constant 0 : i32
      %dma_start3A_33 = arith.constant 64 : i32
      %dma_start3A_34 = tpu.memref_slice %arg9[%dma_start3A_32, %dma_start3A_33] : memref<256x128xf32, #tpu.memory_space<vmem>> -> memref<256x64xf32, #tpu.memory_space<vmem>>
      tpu.enqueue_dma source(%dma_start3A_34 : memref<256x64xf32, #tpu.memory_space<vmem>>) target(%dma_start3A_31 : memref<256x64xf32, #tpu.memory_space<hbm>>) target_semaphore(%run_scoped3A : memref<!tpu.dma_semaphore, #tpu.memory_space<semaphore_mem>>)
      %dma_wait3A_35 = arith.constant 0 : i32
      %dma_wait3A_36 = arith.constant 64 : i32
      %dma_wait3A_37 = tpu.memref_slice %arg9[%dma_wait3A_35, %dma_wait3A_36] : memref<256x128xf32, #tpu.memory_space<vmem>> -> memref<256x64xf32, #tpu.memory_space<vmem>>
      %dma_wait3A_38 = arith.constant 64 : i32
      %dma_wait3A_39 = tpu.memref_slice %arg5[%add3A_24, %dma_wait3A_38] : memref<8192x128xf32, #tpu.memory_space<hbm>> -> memref<256x64xf32, #tpu.memory_space<hbm>>
      %dma_wait3A_40 = arith.constant 64 : i32
      %dma_wait3A_41 = tpu.memref_slice %arg5[%add3A_24, %dma_wait3A_40] : memref<8192x128xf32, #tpu.memory_space<hbm>> -> memref<256x64xf32, #tpu.memory_space<hbm>>
      %dma_wait3A_42 = arith.constant 0 : i32
      %dma_wait3A_43 = arith.constant 64 : i32
      %dma_wait3A_44 = tpu.memref_slice %arg9[%dma_wait3A_42, %dma_wait3A_43] : memref<256x128xf32, #tpu.memory_space<vmem>> -> memref<256x64xf32, #tpu.memory_space<vmem>>
      tpu.wait_dma2 semaphore(%run_scoped3A : memref<!tpu.dma_semaphore, #tpu.memory_space<semaphore_mem>>) src(%dma_wait3A_44 : memref<256x64xf32, #tpu.memory_space<vmem>>) dst(%dma_wait3A_41 : memref<256x64xf32, #tpu.memory_space<hbm>>)
      tpu.yield
    }) : () -> ()
    return
  }
}

#map = affine_map<(d0, d1) -> (0)>
#map1 = affine_map<(d0, d1) -> (0, 0)>
module attributes {stable_mosaic.version = 14 : i64} {
  func.func @sc_gather(%arg0: i32, %arg1: i32, %arg2: memref<8192xi32, #tpu.memory_space<hbm>>, %arg3: memref<8192xi32, #tpu.memory_space<hbm>>, %arg4: memref<100000x128xf32, #tpu.memory_space<hbm>>, %arg5: memref<8192x128xf32, #tpu.memory_space<hbm>>, %arg6: memref<256xi32, #tpu.memory_space<vmem>>, %arg7: memref<256x128xf32, #tpu.memory_space<vmem>>, %arg8: memref<256xi32, #tpu.memory_space<vmem>>, %arg9: memref<256x128xf32, #tpu.memory_space<vmem>>, %arg10: memref<!tpu.dma_semaphore, #tpu.memory_space<semaphore_mem>>, %arg11: memref<!tpu.dma_semaphore, #tpu.memory_space<semaphore_mem>>) attributes {dimension_semantics = [#tpu.dimension_semantics<core_parallel>, #tpu.dimension_semantics<subcore_parallel>], iteration_bounds = array<i64: 2, 16>, scalar_prefetch = 0 : i64, scratch_operands = 6 : i64, tpu.core_type = #tpu.core_type<sc_vector_subcore>, window_params = [{transform_indices = #map}, {transform_indices = #map}, {transform_indices = #map1}, {transform_indices = #map1}]} {
    %mul3A = arith.constant 2 : i32
    %mul3A_0 = arith.muli %arg1, %mul3A : i32
    %add3A = arith.addi %mul3A_0, %arg0 : i32
    %mul3A_1 = arith.constant 256 : i32
    %mul3A_2 = arith.muli %add3A, %mul3A_1 : i32
    "tpu.region"() ({
      %run_scoped3A = tpu.sem_alloc : memref<!tpu.dma_semaphore, #tpu.memory_space<semaphore_mem>>
      %dma_start3A_25 = tpu.memref_slice %arg2[%mul3A_2] : memref<8192xi32, #tpu.memory_space<hbm>> -> memref<256xi32, #tpu.memory_space<hbm>>
      %dma_start3A_26 = tpu.memref_slice %arg2[%mul3A_2] : memref<8192xi32, #tpu.memory_space<hbm>> -> memref<256xi32, #tpu.memory_space<hbm>>
      tpu.enqueue_dma source(%dma_start3A_26 : memref<256xi32, #tpu.memory_space<hbm>>) target(%arg6 : memref<256xi32, #tpu.memory_space<vmem>>) target_semaphore(%run_scoped3A : memref<!tpu.dma_semaphore, #tpu.memory_space<semaphore_mem>>)
      %dma_wait3A_27 = tpu.memref_slice %arg2[%mul3A_2] : memref<8192xi32, #tpu.memory_space<hbm>> -> memref<256xi32, #tpu.memory_space<hbm>>
      %dma_wait3A_28 = tpu.memref_slice %arg2[%mul3A_2] : memref<8192xi32, #tpu.memory_space<hbm>> -> memref<256xi32, #tpu.memory_space<hbm>>
      tpu.wait_dma2 semaphore(%run_scoped3A : memref<!tpu.dma_semaphore, #tpu.memory_space<semaphore_mem>>) src(%dma_wait3A_28 : memref<256xi32, #tpu.memory_space<hbm>>) dst(%arg6 : memref<256xi32, #tpu.memory_space<vmem>>)
      tpu.yield
    }) : () -> ()
    "tpu.region"() ({
      %run_scoped3A = tpu.sem_alloc : memref<!tpu.dma_semaphore, #tpu.memory_space<semaphore_mem>>
      %dma_start3A_25 = tpu.memref_slice %arg3[%mul3A_2] : memref<8192xi32, #tpu.memory_space<hbm>> -> memref<256xi32, #tpu.memory_space<hbm>>
      %dma_start3A_26 = tpu.memref_slice %arg3[%mul3A_2] : memref<8192xi32, #tpu.memory_space<hbm>> -> memref<256xi32, #tpu.memory_space<hbm>>
      tpu.enqueue_dma source(%dma_start3A_26 : memref<256xi32, #tpu.memory_space<hbm>>) target(%arg8 : memref<256xi32, #tpu.memory_space<vmem>>) target_semaphore(%run_scoped3A : memref<!tpu.dma_semaphore, #tpu.memory_space<semaphore_mem>>)
      %dma_wait3A_27 = tpu.memref_slice %arg3[%mul3A_2] : memref<8192xi32, #tpu.memory_space<hbm>> -> memref<256xi32, #tpu.memory_space<hbm>>
      %dma_wait3A_28 = tpu.memref_slice %arg3[%mul3A_2] : memref<8192xi32, #tpu.memory_space<hbm>> -> memref<256xi32, #tpu.memory_space<hbm>>
      tpu.wait_dma2 semaphore(%run_scoped3A : memref<!tpu.dma_semaphore, #tpu.memory_space<semaphore_mem>>) src(%dma_wait3A_28 : memref<256xi32, #tpu.memory_space<hbm>>) dst(%arg8 : memref<256xi32, #tpu.memory_space<vmem>>)
      tpu.yield
    }) : () -> ()
    %dma_start3A = arith.constant 0 : i32
    %dma_start3A_3 = tpu.memref_slice %arg6[%dma_start3A] : memref<256xi32, #tpu.memory_space<vmem>> -> memref<256xi32, #tpu.memory_space<vmem>>
    %dma_start3A_4 = arith.constant 0 : i32
    %dma_start3A_5 = arith.constant 0 : i32
    %dma_start3A_6 = tpu.memref_slice %arg4[%dma_start3A_4, %dma_start3A_5] : memref<100000x128xf32, #tpu.memory_space<hbm>> -> memref<100000x128xf32, #tpu.memory_space<hbm>>
    tpu.enqueue_indirect_dma source(%dma_start3A_6 : memref<100000x128xf32, #tpu.memory_space<hbm>>) target(%arg7 : memref<256x128xf32, #tpu.memory_space<vmem>>) offsets(%dma_start3A_3 : memref<256xi32, #tpu.memory_space<vmem>>) semaphore(%arg10 : memref<!tpu.dma_semaphore, #tpu.memory_space<semaphore_mem>>)
    %dma_start3A_7 = arith.constant 0 : i32
    %dma_start3A_8 = tpu.memref_slice %arg8[%dma_start3A_7] : memref<256xi32, #tpu.memory_space<vmem>> -> memref<256xi32, #tpu.memory_space<vmem>>
    %dma_start3A_9 = arith.constant 0 : i32
    %dma_start3A_10 = arith.constant 0 : i32
    %dma_start3A_11 = tpu.memref_slice %arg4[%dma_start3A_9, %dma_start3A_10] : memref<100000x128xf32, #tpu.memory_space<hbm>> -> memref<100000x128xf32, #tpu.memory_space<hbm>>
    tpu.enqueue_indirect_dma source(%dma_start3A_11 : memref<100000x128xf32, #tpu.memory_space<hbm>>) target(%arg9 : memref<256x128xf32, #tpu.memory_space<vmem>>) offsets(%dma_start3A_8 : memref<256xi32, #tpu.memory_space<vmem>>) semaphore(%arg11 : memref<!tpu.dma_semaphore, #tpu.memory_space<semaphore_mem>>)
    %dma_wait3A = arith.constant 0 : i32
    %dma_wait3A_12 = tpu.memref_slice %arg6[%dma_wait3A] : memref<256xi32, #tpu.memory_space<vmem>> -> memref<256xi32, #tpu.memory_space<vmem>>
    %dma_wait3A_13 = arith.constant 0 : i32
    %dma_wait3A_14 = arith.constant 0 : i32
    %dma_wait3A_15 = tpu.memref_slice %arg4[%dma_wait3A_13, %dma_wait3A_14] : memref<100000x128xf32, #tpu.memory_space<hbm>> -> memref<100000x128xf32, #tpu.memory_space<hbm>>
    tpu.wait_indirect_dma semaphore(%arg10 : memref<!tpu.dma_semaphore, #tpu.memory_space<semaphore_mem>>) src(%dma_wait3A_15 : memref<100000x128xf32, #tpu.memory_space<hbm>>) dst(%arg7 : memref<256x128xf32, #tpu.memory_space<vmem>>)
    %add3A_16 = arith.constant 0 : i32
    %add3A_17 = arith.addi %mul3A_2, %add3A_16 : i32
    "tpu.region"() ({
      %run_scoped3A = tpu.sem_alloc : memref<!tpu.dma_semaphore, #tpu.memory_space<semaphore_mem>>
      %dma_start3A_25 = arith.constant 0 : i32
      %dma_start3A_26 = arith.constant 0 : i32
      %dma_start3A_27 = tpu.memref_slice %arg7[%dma_start3A_25, %dma_start3A_26] : memref<256x128xf32, #tpu.memory_space<vmem>> -> memref<256x64xf32, #tpu.memory_space<vmem>>
      %dma_start3A_28 = arith.constant 0 : i32
      %dma_start3A_29 = tpu.memref_slice %arg5[%add3A_17, %dma_start3A_28] : memref<8192x128xf32, #tpu.memory_space<hbm>> -> memref<256x64xf32, #tpu.memory_space<hbm>>
      %dma_start3A_30 = arith.constant 0 : i32
      %dma_start3A_31 = tpu.memref_slice %arg5[%add3A_17, %dma_start3A_30] : memref<8192x128xf32, #tpu.memory_space<hbm>> -> memref<256x64xf32, #tpu.memory_space<hbm>>
      %dma_start3A_32 = arith.constant 0 : i32
      %dma_start3A_33 = arith.constant 0 : i32
      %dma_start3A_34 = tpu.memref_slice %arg7[%dma_start3A_32, %dma_start3A_33] : memref<256x128xf32, #tpu.memory_space<vmem>> -> memref<256x64xf32, #tpu.memory_space<vmem>>
      tpu.enqueue_dma source(%dma_start3A_34 : memref<256x64xf32, #tpu.memory_space<vmem>>) target(%dma_start3A_31 : memref<256x64xf32, #tpu.memory_space<hbm>>) target_semaphore(%run_scoped3A : memref<!tpu.dma_semaphore, #tpu.memory_space<semaphore_mem>>)
      %dma_wait3A_35 = arith.constant 0 : i32
      %dma_wait3A_36 = arith.constant 0 : i32
      %dma_wait3A_37 = tpu.memref_slice %arg7[%dma_wait3A_35, %dma_wait3A_36] : memref<256x128xf32, #tpu.memory_space<vmem>> -> memref<256x64xf32, #tpu.memory_space<vmem>>
      %dma_wait3A_38 = arith.constant 0 : i32
      %dma_wait3A_39 = tpu.memref_slice %arg5[%add3A_17, %dma_wait3A_38] : memref<8192x128xf32, #tpu.memory_space<hbm>> -> memref<256x64xf32, #tpu.memory_space<hbm>>
      %dma_wait3A_40 = arith.constant 0 : i32
      %dma_wait3A_41 = tpu.memref_slice %arg5[%add3A_17, %dma_wait3A_40] : memref<8192x128xf32, #tpu.memory_space<hbm>> -> memref<256x64xf32, #tpu.memory_space<hbm>>
      %dma_wait3A_42 = arith.constant 0 : i32
      %dma_wait3A_43 = arith.constant 0 : i32
      %dma_wait3A_44 = tpu.memref_slice %arg7[%dma_wait3A_42, %dma_wait3A_43] : memref<256x128xf32, #tpu.memory_space<vmem>> -> memref<256x64xf32, #tpu.memory_space<vmem>>
      tpu.wait_dma2 semaphore(%run_scoped3A : memref<!tpu.dma_semaphore, #tpu.memory_space<semaphore_mem>>) src(%dma_wait3A_44 : memref<256x64xf32, #tpu.memory_space<vmem>>) dst(%dma_wait3A_41 : memref<256x64xf32, #tpu.memory_space<hbm>>)
      tpu.yield
    }) : () -> ()
    %dma_wait3A_18 = arith.constant 0 : i32
    %dma_wait3A_19 = tpu.memref_slice %arg8[%dma_wait3A_18] : memref<256xi32, #tpu.memory_space<vmem>> -> memref<256xi32, #tpu.memory_space<vmem>>
    %dma_wait3A_20 = arith.constant 0 : i32
    %dma_wait3A_21 = arith.constant 0 : i32
    %dma_wait3A_22 = tpu.memref_slice %arg4[%dma_wait3A_20, %dma_wait3A_21] : memref<100000x128xf32, #tpu.memory_space<hbm>> -> memref<100000x128xf32, #tpu.memory_space<hbm>>
    tpu.wait_indirect_dma semaphore(%arg11 : memref<!tpu.dma_semaphore, #tpu.memory_space<semaphore_mem>>) src(%dma_wait3A_22 : memref<100000x128xf32, #tpu.memory_space<hbm>>) dst(%arg9 : memref<256x128xf32, #tpu.memory_space<vmem>>)
    %add3A_23 = arith.constant 0 : i32
    %add3A_24 = arith.addi %mul3A_2, %add3A_23 : i32
    "tpu.region"() ({
      %run_scoped3A = tpu.sem_alloc : memref<!tpu.dma_semaphore, #tpu.memory_space<semaphore_mem>>
      %dma_start3A_25 = arith.constant 0 : i32
      %dma_start3A_26 = arith.constant 64 : i32
      %dma_start3A_27 = tpu.memref_slice %arg9[%dma_start3A_25, %dma_start3A_26] : memref<256x128xf32, #tpu.memory_space<vmem>> -> memref<256x64xf32, #tpu.memory_space<vmem>>
      %dma_start3A_28 = arith.constant 64 : i32
      %dma_start3A_29 = tpu.memref_slice %arg5[%add3A_24, %dma_start3A_28] : memref<8192x128xf32, #tpu.memory_space<hbm>> -> memref<256x64xf32, #tpu.memory_space<hbm>>
      %dma_start3A_30 = arith.constant 64 : i32
      %dma_start3A_31 = tpu.memref_slice %arg5[%add3A_24, %dma_start3A_30] : memref<8192x128xf32, #tpu.memory_space<hbm>> -> memref<256x64xf32, #tpu.memory_space<hbm>>
      %dma_start3A_32 = arith.constant 0 : i32
      %dma_start3A_33 = arith.constant 64 : i32
      %dma_start3A_34 = tpu.memref_slice %arg9[%dma_start3A_32, %dma_start3A_33] : memref<256x128xf32, #tpu.memory_space<vmem>> -> memref<256x64xf32, #tpu.memory_space<vmem>>
      tpu.enqueue_dma source(%dma_start3A_34 : memref<256x64xf32, #tpu.memory_space<vmem>>) target(%dma_start3A_31 : memref<256x64xf32, #tpu.memory_space<hbm>>) target_semaphore(%run_scoped3A : memref<!tpu.dma_semaphore, #tpu.memory_space<semaphore_mem>>)
      %dma_wait3A_35 = arith.constant 0 : i32
      %dma_wait3A_36 = arith.constant 64 : i32
      %dma_wait3A_37 = tpu.memref_slice %arg9[%dma_wait3A_35, %dma_wait3A_36] : memref<256x128xf32, #tpu.memory_space<vmem>> -> memref<256x64xf32, #tpu.memory_space<vmem>>
      %dma_wait3A_38 = arith.constant 64 : i32
      %dma_wait3A_39 = tpu.memref_slice %arg5[%add3A_24, %dma_wait3A_38] : memref<8192x128xf32, #tpu.memory_space<hbm>> -> memref<256x64xf32, #tpu.memory_space<hbm>>
      %dma_wait3A_40 = arith.constant 64 : i32
      %dma_wait3A_41 = tpu.memref_slice %arg5[%add3A_24, %dma_wait3A_40] : memref<8192x128xf32, #tpu.memory_space<hbm>> -> memref<256x64xf32, #tpu.memory_space<hbm>>
      %dma_wait3A_42 = arith.constant 0 : i32
      %dma_wait3A_43 = arith.constant 64 : i32
      %dma_wait3A_44 = tpu.memref_slice %arg9[%dma_wait3A_42, %dma_wait3A_43] : memref<256x128xf32, #tpu.memory_space<vmem>> -> memref<256x64xf32, #tpu.memory_space<vmem>>
      tpu.wait_dma2 semaphore(%run_scoped3A : memref<!tpu.dma_semaphore, #tpu.memory_space<semaphore_mem>>) src(%dma_wait3A_44 : memref<256x64xf32, #tpu.memory_space<vmem>>) dst(%dma_wait3A_41 : memref<256x64xf32, #tpu.memory_space<hbm>>)
      tpu.yield
    }) : () -> ()
    return
  }
}

module attributes {stable_mosaic.version = 14 : i64} {
  func.func @_merge_body(%arg0: i32, %arg1: memref<64x8192xf32, #tpu.memory_space<vmem>>, %arg2: memref<64x8192xf32, #tpu.memory_space<vmem>>, %arg3: memref<8192x128xf32, #tpu.memory_space<vmem>>) attributes {dimension_semantics = [#tpu.dimension_semantics<arbitrary>], iteration_bounds = array<i64: 13>, scalar_prefetch = 0 : i64, scratch_operands = 0 : i64, tpu.core_type = #tpu.core_type<tc>, window_params = [{transform_indices = @transform_0, window_bounds = array<i64: 64, 8192>}, {transform_indices = @transform_1, window_bounds = array<i64: 64, 8192>}, {transform_indices = @transform_2, window_bounds = array<i64: 8192, 128>}]} {
    %iota3A = tpu.iota {dimensions = array<i32: 0>} : vector<64x64xi32>
    %iota3A_0 = tpu.iota {dimensions = array<i32: 1>} : vector<64x64xi32>
    %add3A = arith.constant 0 : i32
    %add3A_1 = vector.broadcast %add3A : i32 to vector<64x64xi32>
    %add3A_2 = arith.addi %iota3A, %add3A_1 : vector<64x64xi32>
    %eq3A = arith.cmpi eq, %add3A_2, %iota3A_0 : vector<64x64xi32>
    %convert_element_type3A = arith.extui %eq3A : vector<64x64xi1> to vector<64x64xi32>
    %convert_element_type3A_3 = arith.sitofp %convert_element_type3A : vector<64x64xi32> to vector<64x64xf32>
    %get3A = arith.constant 0 : index
    %get3A_4 = arith.constant 0 : index
    %get3A_5 = vector.load %arg1[%get3A, %get3A_4] : memref<64x8192xf32, #tpu.memory_space<vmem>>, vector<64x8192xf32>
    %dot_general3A = arith.constant dense<0.000000e+00> : vector<8192x64xf32>
    %dot_general3A_6 = tpu.matmul %get3A_5, %convert_element_type3A_3, %dot_general3A {dimension_numbers = #tpu.dot_dimension_numbers<[0], [0], [1], [1], [0, 1, 1, 1], [], []>, transpose_lhs_hint = false} : vector<64x8192xf32>, vector<64x64xf32>, vector<8192x64xf32> -> vector<8192x64xf32>
    %get3A_7 = arith.constant 0 : index
    %get3A_8 = arith.constant 0 : index
    %get3A_9 = vector.load %arg2[%get3A_7, %get3A_8] : memref<64x8192xf32, #tpu.memory_space<vmem>>, vector<64x8192xf32>
    %dot_general3A_10 = arith.constant dense<0.000000e+00> : vector<8192x64xf32>
    %dot_general3A_11 = tpu.matmul %get3A_9, %convert_element_type3A_3, %dot_general3A_10 {dimension_numbers = #tpu.dot_dimension_numbers<[0], [0], [1], [1], [0, 1, 1, 1], [], []>, transpose_lhs_hint = false} : vector<64x8192xf32>, vector<64x64xf32>, vector<8192x64xf32> -> vector<8192x64xf32>
    %concatenate3A = tpu.concatenate %dot_general3A_6, %dot_general3A_11 in 1 : vector<8192x64xf32>, vector<8192x64xf32> -> vector<8192x128xf32>
    %swap3A = arith.constant 0 : index
    %swap3A_12 = arith.constant 0 : index
    %swap3A_13 = vector.load %arg3[%swap3A, %swap3A_12] : memref<8192x128xf32, #tpu.memory_space<vmem>>, vector<8192x128xf32>
    tpu.vector_store %arg3[%swap3A, %swap3A_12], %concatenate3A {strides = array<i32>} : memref<8192x128xf32, #tpu.memory_space<vmem>>, vector<8192x128xf32>,
    return
  }
  func.func @transform_0(%arg0: i32) -> (i32, i32) {
    %c0_i32 = arith.constant 0 : i32
    %c0_i32_0 = arith.constant 0 : i32
    return %c0_i32, %arg0 : i32, i32
  }
  func.func @transform_1(%arg0: i32) -> (i32, i32) {
    %c0_i32 = arith.constant 0 : i32
    %c0_i32_0 = arith.constant 0 : i32
    return %c0_i32, %arg0 : i32, i32
  }
  func.func @transform_2(%arg0: i32) -> (i32, i32) {
    %c0_i32 = arith.constant 0 : i32
    %c0_i32_0 = arith.constant 0 : i32
    return %arg0, %c0_i32 : i32, i32
  }
}

module attributes {stable_mosaic.version = 14 : i64} {
  func.func @_mlp_body(%arg0: i32, %arg1: memref<2048x128xf32, #tpu.memory_space<vmem>>, %arg2: memref<2048x1xf32, #tpu.memory_space<vmem>>, %arg3: memref<128x32xf32, #tpu.memory_space<vmem>>, %arg4: memref<1x32xf32, #tpu.memory_space<vmem>>, %arg5: memref<1x32xf32, #tpu.memory_space<vmem>>, %arg6: memref<32x1xf32, #tpu.memory_space<vmem>>, %arg7: memref<1x1xf32, #tpu.memory_space<vmem>>, %arg8: memref<16x128xf32, #tpu.memory_space<vmem>>) attributes {dimension_semantics = [#tpu.dimension_semantics<arbitrary>], iteration_bounds = array<i64: 4>, scalar_prefetch = 0 : i64, scratch_operands = 0 : i64, tpu.core_type = #tpu.core_type<tc>, window_params = [{transform_indices = @transform_0, window_bounds = array<i64: 2048, 128>}, {transform_indices = @transform_1, window_bounds = array<i64: 2048, 1>}, {pipeline_mode = #tpu.pipeline_mode<synchronous>, transform_indices = @transform_2, window_bounds = array<i64: 128, 32>}, {pipeline_mode = #tpu.pipeline_mode<synchronous>, transform_indices = @transform_3, window_bounds = array<i64: 1, 32>}, {pipeline_mode = #tpu.pipeline_mode<synchronous>, transform_indices = @transform_4, window_bounds = array<i64: 1, 32>}, {pipeline_mode = #tpu.pipeline_mode<synchronous>, transform_indices = @transform_5, window_bounds = array<i64: 32, 1>}, {pipeline_mode = #tpu.pipeline_mode<synchronous>, transform_indices = @transform_6, window_bounds = array<i64: 1, 1>}, {transform_indices = @transform_7, window_bounds = array<i64: 16, 128>}]} {
    %get3A = arith.constant 0 : index
    %get3A_0 = arith.constant 0 : index
    %get3A_1 = vector.load %arg1[%get3A, %get3A_0] : memref<2048x128xf32, #tpu.memory_space<vmem>>, vector<2048x128xf32>
    %get3A_2 = arith.constant 0 : index
    %get3A_3 = arith.constant 0 : index
    %get3A_4 = vector.load %arg3[%get3A_2, %get3A_3] : memref<128x32xf32, #tpu.memory_space<vmem>>, vector<128x32xf32>
    %dot_general3A = arith.constant dense<0.000000e+00> : vector<2048x32xf32>
    %dot_general3A_5 = tpu.matmul %get3A_1, %get3A_4, %dot_general3A {dimension_numbers = #tpu.dot_dimension_numbers<[1], [0], [0], [1], [0, 0, 1, 1], [], []>, transpose_lhs_hint = false} : vector<2048x128xf32>, vector<128x32xf32>, vector<2048x32xf32> -> vector<2048x32xf32>
    %get3A_6 = arith.constant 0 : index
    %get3A_7 = arith.constant 0 : index
    %get3A_8 = vector.load %arg2[%get3A_6, %get3A_7] : memref<2048x1xf32, #tpu.memory_space<vmem>>, vector<2048x1xf32>
    %get3A_9 = arith.constant 0 : index
    %get3A_10 = arith.constant 0 : index
    %get3A_11 = vector.load %arg4[%get3A_9, %get3A_10] : memref<1x32xf32, #tpu.memory_space<vmem>>, vector<1x32xf32>
    %mul3A = vector.broadcast %get3A_8 : vector<2048x1xf32> to vector<2048x32xf32>
    %mul3A_12 = vector.broadcast %get3A_11 : vector<1x32xf32> to vector<2048x32xf32>
    %mul3A_13 = arith.mulf %mul3A, %mul3A_12 : vector<2048x32xf32>
    %add3A = arith.addf %dot_general3A_5, %mul3A_13 : vector<2048x32xf32>
    %get3A_14 = arith.constant 0 : index
    %get3A_15 = arith.constant 0 : index
    %get3A_16 = vector.load %arg5[%get3A_14, %get3A_15] : memref<1x32xf32, #tpu.memory_space<vmem>>, vector<1x32xf32>
    %add3A_17 = vector.broadcast %get3A_16 : vector<1x32xf32> to vector<2048x32xf32>
    %add3A_18 = arith.addf %add3A, %add3A_17 : vector<2048x32xf32>
    %max3A = arith.constant 0.000000e+00 : f32
    %max3A_19 = vector.broadcast %max3A : f32 to vector<2048x32xf32>
    %max3A_20 = arith.maximumf %add3A_18, %max3A_19 : vector<2048x32xf32>
    %get3A_21 = arith.constant 0 : index
    %get3A_22 = arith.constant 0 : index
    %get3A_23 = vector.load %arg6[%get3A_21, %get3A_22] : memref<32x1xf32, #tpu.memory_space<vmem>>, vector<32x1xf32>
    %dot_general3A_24 = arith.constant dense<0.000000e+00> : vector<2048x1xf32>
    %dot_general3A_25 = tpu.matmul %max3A_20, %get3A_23, %dot_general3A_24 {dimension_numbers = #tpu.dot_dimension_numbers<[1], [0], [0], [1], [0, 0, 1, 1], [], []>, transpose_lhs_hint = false} : vector<2048x32xf32>, vector<32x1xf32>, vector<2048x1xf32> -> vector<2048x1xf32>
    %get3A_26 = arith.constant 0 : index
    %get3A_27 = arith.constant 0 : index
    %get3A_28 = vector.load %arg7[%get3A_26, %get3A_27] : memref<1x1xf32, #tpu.memory_space<vmem>>, vector<1x1xf32>
    %add3A_29 = vector.broadcast %get3A_28 : vector<1x1xf32> to vector<2048x1xf32>
    %add3A_30 = arith.addf %dot_general3A_25, %add3A_29 : vector<2048x1xf32>
    %neg3A = arith.constant 0.000000e+00 : f32
    %neg3A_31 = vector.broadcast %neg3A : f32 to vector<2048x1xf32>
    %neg3A_32 = arith.subf %neg3A_31, %add3A_30 : vector<2048x1xf32>
    %exp3A = math.exp %neg3A_32 : vector<2048x1xf32>
    %add3A_33 = arith.constant 1.000000e+00 : f32
    %add3A_34 = vector.broadcast %add3A_33 : f32 to vector<2048x1xf32>
    %add3A_35 = arith.addf %add3A_34, %exp3A : vector<2048x1xf32>
    %div3A = arith.constant 1.000000e+00 : f32
    %div3A_36 = vector.broadcast %div3A : f32 to vector<2048x1xf32>
    %div3A_37 = arith.divf %div3A_36, %add3A_35 : vector<2048x1xf32>
    %squeeze3A = vector.shape_cast %div3A_37 : vector<2048x1xf32> to vector<2048xf32>
    %reshape3A = vector.shape_cast %squeeze3A : vector<2048xf32> to vector<16x128xf32>
    %swap3A = arith.constant 0 : index
    %swap3A_38 = arith.constant 0 : index
    %swap3A_39 = vector.load %arg8[%swap3A, %swap3A_38] : memref<16x128xf32, #tpu.memory_space<vmem>>, vector<16x128xf32>
    tpu.vector_store %arg8[%swap3A, %swap3A_38], %reshape3A {strides = array<i32>} : memref<16x128xf32, #tpu.memory_space<vmem>>, vector<16x128xf32>,
    return
  }
  func.func @transform_0(%arg0: i32) -> (i32, i32) {
    %c0_i32 = arith.constant 0 : i32
    %c0_i32_0 = arith.constant 0 : i32
    return %arg0, %c0_i32 : i32, i32
  }
  func.func @transform_1(%arg0: i32) -> (i32, i32) {
    %c0_i32 = arith.constant 0 : i32
    %c0_i32_0 = arith.constant 0 : i32
    return %arg0, %c0_i32 : i32, i32
  }
  func.func @transform_2(%arg0: i32) -> (i32, i32) {
    %c0_i32 = arith.constant 0 : i32
    %c0_i32_0 = arith.constant 0 : i32
    %c0_i32_1 = arith.constant 0 : i32
    return %c0_i32, %c0_i32_0 : i32, i32
  }
  func.func @transform_3(%arg0: i32) -> (i32, i32) {
    %c0_i32 = arith.constant 0 : i32
    %c0_i32_0 = arith.constant 0 : i32
    %c0_i32_1 = arith.constant 0 : i32
    return %c0_i32, %c0_i32_0 : i32, i32
  }
  func.func @transform_4(%arg0: i32) -> (i32, i32) {
    %c0_i32 = arith.constant 0 : i32
    %c0_i32_0 = arith.constant 0 : i32
    %c0_i32_1 = arith.constant 0 : i32
    return %c0_i32, %c0_i32_0 : i32, i32
  }
  func.func @transform_5(%arg0: i32) -> (i32, i32) {
    %c0_i32 = arith.constant 0 : i32
    %c0_i32_0 = arith.constant 0 : i32
    %c0_i32_1 = arith.constant 0 : i32
    return %c0_i32, %c0_i32_0 : i32, i32
  }
  func.func @transform_6(%arg0: i32) -> (i32, i32) {
    %c0_i32 = arith.constant 0 : i32
    %c0_i32_0 = arith.constant 0 : i32
    %c0_i32_1 = arith.constant 0 : i32
    return %c0_i32, %c0_i32_0 : i32, i32
  }
  func.func @transform_7(%arg0: i32) -> (i32, i32) {
    %c0_i32 = arith.constant 0 : i32
    %c0_i32_0 = arith.constant 0 : i32
    return %arg0, %c0_i32 : i32, i32
  }
}

</mosaic_0001>

<sc_bundles>
// kernel: kernel.10.cloned.1.call-start
scs
__scs_entry_jumppad:
0x0: {  	(pc) =	sbr.rel $0x88, $3  }
0x1: {  	(tag) =	ssettag $0x0;
	lr =	simm.s32 $0x1  }
0x2: {  	[smem:$0x3F98] =	sst lr;
	_ =	strace $0xD0000000  }
0x3: {  	_ = 	snop  }
0x4: {  	_ = 	snop  }
0x5: {  	_ = 	snop  }
0x6: {  	_ = 	snop  }
0x7: {  	_ = 	snop  }
__scs_overlays_trampoline_lowered:
0x8: {  	[smem:$0x3FA7] =	sst s0  }
0x9: {  	[smem:$0x3FA8] =	sst s1  }
0xa: {  	[smem:$0x3FA9] =	sst s2  }
0xb: {  	[smem:$0x3FAA] =	sst s3  }
0xc: {  	[smem:$0x3FAB] =	sst s4  }
0xd: {  	[smem:$0x3FAC] =	sst s5  }
0xe: {  	[smem:$0x3FAD] =	sst s6  }
0xf: {  	[smem:$0x3FAE] =	sst s7  }
0x10: {  	[smem:$0x3FAF] =	sst s8  }
0x11: {  	[smem:$0x3FB0] =	sst s9;
	s0 =	simm.s32 @!p0 $0x0  }
0x12: {  	s1 =	sld [smem:$0x3F96];
	s0 =	simm.s32 @p0 $0x1  }
0x13: {  	[smem:$0x3FB1] =	sst s0;
	s0 =	simm.s32 @!p1 $0x0  }
0x14: {  	s2 =	sld [smem:$0x3F95];
	s0 =	simm.s32 @p1 $0x1  }
0x15: {  	[smem:$0x3FB2] =	sst s0;
	s0 =	simm.s32 @!p2 $0x0  }
0x16: {  	s3 =	sld [smem:$0x3FDB];
	s0 =	simm.s32 @p2 $0x1  }
0x17: {  	s4 =	simm.s32 $0x1BF5;
	[smem:$0x3FB4] =	sst s0  }
0x18: {  	s0 =	sld [smem:$0x3F97];
	_ =	swait.ge [sflag:s4], $0x0  }
0x19: {  	s7 =	sld [smem:$0x3F98]  }
0x1a: {  	s8 =	sadd.s32 $0xFFFFE003, lr  }
0x1b: {  	s9 =	sadd.s32 $0xFFFFFEF7, lr;
	s5 =	simm.s32 $0xFFFFFFFF;
	p2 =	slt.u32 s8, $0xFFFFF086  }
0x1c: {  	p1 =	slt.u32 s9, $0xF7A;
	s5 =	simm.s32 @!p2 $0x0  }
0x1d: {  	s5 =	simm.s32 @p1 $0x1;
	p0 =	seq.s32 s7, s2  }
0x1e: {  	s7 =	smul.u32 @!p0 $0xF7A, s2;
	p2 =	seq.s32 @!p0 s5, $0x0  }
0x1f: {  	s9 =	smul.u32 $0xF7A, s1;
	s8 =	simm.s32 @!p0 $0x1BF5;
	p2 =	por !p2, p0  }
0x20: {  	[sflag:s8] =	ssyncset.s32 @!p0 $0xFFFFF086;
	s6 =	sadd.s32 @!p0 s3, s7;
	s7 =	simm.s32 @!p0 $0x108  }
0x21: {  	s3 =	sadd.s32 s3, s9;
	s6 =	sadd.s32 @!p0 $0x88, s6;
	s7 =	simm.s32 @p2 $0x1082  }
0x22: {  	[simem:s7], [sflag:s8] =	dma.local @!p0 [hbm:s6], $0xF7A  }
0x23: {  	s9 =	sor.u32 $0xD0000000, s2;
	s6 =	simm.s32 $0x108;
	_ =	swait.ge @!p0 [sflag:s8], $0x0  }
0x24: {  	s3 =	sadd.s32 $0x88, s3;
	s6 =	simm.s32 @!p1 $0x1082;
	[sflag:s4] =	ssyncset.s32 $0xFFFFF086  }
0x25: {  	[simem:s6], [sflag:s4] =	dma.local [hbm:s3], $0xF7A  }
0x26: {  	[smem:$0x3F98] =	sst s1;
	(tag) =	ssettag s2;
	_ =	strace s9  }
0x27: {  	s1 =	sld [smem:$0x3FA8]  }
0x28: {  	s2 =	sld [smem:$0x3FA9]  }
0x29: {  	s4 =	sld [smem:$0x3FAB]  }
0x2a: {  	p0 =	seq.s32 s5, $0x0;
	s5 =	sld [smem:$0x3FAC]  }
0x2b: {  	s6 =	sld [smem:$0x3FAD]  }
0x2c: {  	s7 =	sld [smem:$0x3FAE]  }
0x2d: {  	s3 =	simm.s32 $0x108;
	s8 =	sld [smem:$0x3FAF]  }
0x2e: {  	s3 =	simm.s32 @!p0 $0x1082;
	s9 =	sld [smem:$0x3FB0]  }
0x2f: {  	lr =	sadd.s32 s0, s3;
	s0 =	sld [smem:$0x3FA7]  }
0x30: {  	s3 =	sld [smem:$0x3FAA]  }
0x31: {  	[smem:$0x3FB3] =	sst s10  }
0x32: {  	s10 =	sld [smem:$0x3FB1];
	_ =	sdelay $0x3  }
0x33: {  	p0 =	seq.s32 s10, $0x1;
	s10 =	sld [smem:$0x3FB3];
	_ =	sdelay $0x3  }
0x34: {  	[smem:$0x3FB3] =	sst s10  }
0x35: {  	s10 =	sld [smem:$0x3FB2];
	_ =	sdelay $0x3  }
0x36: {  	p1 =	seq.s32 s10, $0x1;
	s10 =	sld [smem:$0x3FB3];
	_ =	sdelay $0x3  }
0x37: {  	[smem:$0x3FB3] =	sst s10  }
0x38: {  	s10 =	sld [smem:$0x3FB4]  }
0x39: {  	_ = 	snop;
	(pc) =	sbr.ind lr, $3  }
0x3a: {  	_ = 	snop  }
0x3b: {  	_ = 	snop  }
0x3c: {  	p2 =	seq.s32 s10, $0x1;
	s10 =	sld [smem:$0x3FB3]  }
0x3d: {  	_ =	shalt  }
0x3e: {  	_ =	shalt  }
0x3f: {  	_ =	shalt  }
0x40: {  	_ =	shalt  }
0x41: {  	_ =	shalt  }
0x42: {  	_ =	shalt  }
0x43: {  	_ =	shalt  }
0x44: {  	_ =	shalt  }
0x45: {  	_ =	shalt  }
0x46: {  	_ =	shalt  }
0x47: {  	_ =	shalt  }
0x48: {  	_ =	shalt  }
0x49: {  	_ =	shalt  }
0x4a: {  	_ =	shalt  }
0x4b: {  	_ =	shalt  }
0x4c: {  	_ =	shalt  }
0x4d: {  	_ =	shalt  }
0x4e: {  	_ =	shalt  }
0x4f: {  	_ =	shalt  }
0x50: {  	_ =	shalt  }
0x51: {  	_ =	shalt  }
0x52: {  	_ =	shalt  }
0x53: {  	_ =	shalt  }
0x54: {  	_ =	shalt  }
0x55: {  	_ =	shalt  }
0x56: {  	_ =	shalt  }
0x57: {  	_ =	shalt  }
0x58: {  	_ =	shalt  }
0x59: {  	_ =	shalt  }
0x5a: {  	_ =	shalt  }
0x5b: {  	_ =	shalt  }
0x5c: {  	_ =	shalt  }
0x5d: {  	_ =	shalt  }
0x5e: {  	_ =	shalt  }
0x5f: {  	_ =	shalt  }
0x60: {  	_ =	shalt  }
0x61: {  	_ =	shalt  }
0x62: {  	_ =	shalt  }
0x63: {  	_ =	shalt  }
0x64: {  	_ =	shalt  }
0x65: {  	_ =	shalt  }
0x66: {  	_ =	shalt  }
0x67: {  	_ =	shalt  }
0x68: {  	_ =	shalt  }
0x69: {  	_ =	shalt  }
0x6a: {  	_ =	shalt  }
0x6b: {  	_ =	shalt  }
0x6c: {  	_ =	shalt  }
0x6d: {  	_ =	shalt  }
0x6e: {  	_ =	shalt  }
0x6f: {  	_ =	shalt  }
0x70: {  	_ =	shalt  }
0x71: {  	_ =	shalt  }
0x72: {  	_ =	shalt  }
0x73: {  	_ =	shalt  }
0x74: {  	_ =	shalt  }
0x75: {  	_ =	shalt  }
0x76: {  	_ =	shalt  }
0x77: {  	_ =	shalt  }
0x78: {  	_ =	shalt  }
0x79: {  	_ =	shalt  }
0x7a: {  	_ =	shalt  }
0x7b: {  	_ =	shalt  }
0x7c: {  	_ =	shalt  }
0x7d: {  	_ =	shalt  }
0x7e: {  	_ =	shalt  }
0x7f: {  	_ =	shalt  }
0x80: {  	_ =	shalt  }
0x81: {  	_ =	shalt  }
0x82: {  	_ =	shalt  }
0x83: {  	_ =	shalt  }
0x84: {  	_ =	shalt  }
0x85: {  	_ =	shalt  }
0x86: {  	_ =	shalt  }
0x87: {  	_ =	shalt  }
.Lfunc_end0:
.L_simem_size_0:
called_computation.1_lowered:
.L_overlay_start_0:
0x88: {  	s2 =	sld [smem:$0x3FD9]  }
0x89: {  	s3 =	sld [smem:$0x3FFE];
	_ =	sdelay $0x1  }
0x8a: {  	s1 =	srdreg.scid  }
0x8b: {  	s0 =	sand.u32 $0x1, s1  }
0x8c: {  	s17 =	sshll.u32 s0, $0xA;
	s2 =	sadd.s32 s3, s2  }
0x8d: {  	s2 =	sadd.s32 s2, s17  }
0x8e: {  	[smem:$0x3FBF] =	sst s2  }
0x8f: {  	_ = 	snop  }
0x90: {  	(tm) =	ssettm $0x1  }
0x91: {  	s18 =	sld [smem:$0x3FFB];
	_ =	sdelay $0x3  }
0x92: {  	_ =	strace s18  }
0x93: {  	s2 =	sld [smem:$0x3FFC];
	_ =	sdelay $0x3  }
0x94: {  	_ =	strace s2  }
0x95: {  	s2 =	sld [smem:$0x3FFD];
	_ =	sdelay $0x3  }
0x96: {  	_ =	strace s2  }
0x97: {  	_ =	strace $0x8FFFFFFF  }
0x98: {  	s19 =	sld [smem:$0x3FDB];
	_ =	sdelay $0x1  }
0x99: {  	s20 =	simm.s32 $_scs_section_size  }
0x9a: {  	s4 =	simm.s32 $_size__tile_overlayer_lowered;
	s5 =	simm.s32 $_tile_overlayer_lowered  }
0x9b: {  	s6 =	simm.s32 $0x1BFF;
	s21 =	sshll.u32 s5, $0x1;
	s3 =	sadd.s32 s20, s19  }
0x9c: {  	s22 =	simm.s32 $0x0;
	s4 =	sshll.u32 s4, $0x1;
	s5 =	sadd.s32 s21, s3  }
0x9d: {  	[timem:s22], [sflag:s6] =	dma.local [hbm:s5], s4  }
0x9e: {  	_ =	swait.ge [sflag:s6], s4  }
0x9f: {  	s4 =	ssub.s32 $0x0, s4;
	[sflag:s6] =	ssyncset.done $0x0  }
0xa0: {  	[sflag:s6] =	ssyncadd.s32 s4;
	_ =	sdelay $0x1  }
0xa1: {  	s23 =	simm.s32 $0x1B8B  }
0xa2: {  	_ =	swait.ge [sflag:s23], $0x1  }
0xa3: {  	[sflag:s23] =	ssyncset.done $0x0  }
0xa4: {  	[sflag:s23] =	ssyncadd.s32 $0xFFFFFFFF  }
0xa5: {  	s4 =	sld [smem:$0x0]  }
0xa6: {  	s5 =	sand.u32 $0xFFFFFFFE, s1  }
0xa7: {  	p0 =	sne.s32 s1, s5  }
0xa8: {  	s5 =	sshll.u32 @p0 s5, $0xE  }
0xa9: {  	s5 =	sadd.s32 @p0 $0x11B8D, s5;
	s6 =	sshll.u32 @p0 s4, $0x11  }
0xaa: {  	s5 =	sor.u32 @p0 s6, s5  }
0xab: {  	[sflag:s5] =	ssyncadd.remote.s32 @p0 $0x1;
	_ =	sdelay $0x1  }
0xac: {  	s5 =	simm.s32 @p0 $0x1B8D  }
0xad: {  	_ =	swait.eq @p0 [sflag:s5], $0x1  }
0xae: {  	[sflag:s5] =	ssyncadd.s32 @p0 $0xFFFFFFFF  }
0xaf: {  	s6 =	sshll.u32 @!p0 s1, $0xE  }
0xb0: {  	s6 =	sor.u32 @!p0 $0x4000, s6;
	s5 =	simm.s32 @!p0 $0x1B8D  }
0xb1: {  	s4 =	sshll.u32 @!p0 s4, $0x11;
	s6 =	sadd.s32 @!p0 $0x11B8D, s6;
	_ =	swait.eq @!p0 [sflag:s5], $0x1  }
0xb2: {  	s4 =	sor.u32 @!p0 s4, s6;
	[sflag:s5] =	ssyncadd.s32 @!p0 $0xFFFFFFFF  }
0xb3: {  	s25 =	simm.s32 $0x1B8E;
	s24 =	sld [smem:$0x3FFE];
	[sflag:s4] =	ssyncadd.remote.s32 @!p0 $0x1  }
0xb4: {  	s26 =	simm.s32 $execute0_lowered;
	[smem:$0x3FD2] =	sst s25  }
0xb5: {  	s5 =	sshll.u32 s26, $0x1;
	_ =	strace $0x80000049;
	[dreg:$0x1] =	wrdreg $0xFFFFFFFF  }
0xb6: {  	s28 =	simm.s32 $_size_execute0_lowered;
	s3 =	sadd.s32 s3, s5;
	[dreg:$0x0] =	wrdreg $0x0  }
0xb7: {  	s5 =	sshll.u32 s28, $0x1;
	[dreg:$0x2] =	wrdreg s3  }
0xb8: {  	[dreg:$0x3] =	wrdreg s5  }
0xb9: {  	[dreg:$0x4] =	wrdreg $0xC0  }
0xba: {  	_ =	task [dreg:s22], $0x5FFFF  }
0xbb: {  	[dreg:$0x1] =	wrdreg $0xFFFFFFFF  }
0xbc: {  	[dreg:$0x0] =	wrdreg $0x60  }
0xbd: {  	[dreg:$0x2] =	wrdreg s24  }
0xbe: {  	[dreg:$0x3] =	wrdreg $0xA  }
0xbf: {  	_ =	task.clear_ibuf [dreg:s22], $0x4FFFF;
	_ =	strace $0x90000049  }
0xc0: {  	s29 =	simm.s32 $0xA;
	_ =	strace $0x8000004B  }
0xc1: {  	_ =	swait.ge [sflag:s29], $0x1  }
0xc2: {  	[sflag:s29] =	ssyncadd.s32 $0xFFFFFFFF  }
0xc3: {  	_ =	strace $0x9000004B  }
0xc4: {  	_ =	sfence  }
0xc5: {  	s30 =	sld [smem:$0x0];
	_ =	sdelay $0x2  }
0xc6: {  	s31 =	sshll.u32 s1, $0xD;
	s1 =	sshrl.u32 s1, $0x2  }
0xc7: {  	s4 =	sand.u32 $0x4000, s31;
	s1 =	sadd.s32 s1, s30  }
0xc8: {  	s0 =	sor.u32 s4, s0;
	s1 =	sshll.u32 s1, $0x11  }
0xc9: {  	s0 =	sor.u32 s1, s0  }
0xca: {  	s0 =	sadd.s32 $0x8F2B, s0  }
0xcb: {  	[sflag:s0] =	ssyncadd.remote.s32 $0x1  }
0xcc: {  	_ =	sfence.sel $0xFFFF  }
0xcd: {  	[dreg:$0x0] =	wrdreg $0xFFFFFFFF;
	(pc) =	sbr.abs _section_cstart, $3  }
0xce: {  	[dreg:$0x1] =	wrdreg $0xFFFFFFFF  }
0xcf: {  	_ =	task.clear_ibuf [dreg:s22], $0x2FFFF;
	_ =	strace $0x9FFFFFFF  }
0xd0: {  	(tm) =	ssettm $0x7FFFFFFF  }
0xd1: {  	_ =	shalt  }
tec
execute0_lowered:
.L_overlay_start_1:
0x0: {  	(tag) =	ssettag $0x1  }
0x1: {  	s4 =	rddreg [dreg:$0x0]  }
0x2: {  	s2 =	srdreg.scid;
	s0 =	rddreg [dreg:$0x1]  }
0x3: {  	s1 =	stileid.u32;
	s10 =	simm.s32 $0x8100;
	s11 =	simm.s32 $0x8200  }
0x4: {  	s12 =	simm.s32 $0x1;
	s13 =	simm.s32 $0x2;
	s14 =	simm.s32 $0x0  }
0x5: {  	s3 =	sand.u32 $0x1, s2;
	s2 =	simm.s32 $0x0;
	s5 =	sshll.u32 s1, $0x9  }
0x6: {  	s6 =	sshll.u32 s3, $0x8;
	[smem:$0x7FF] =	sst s2;
	s7 =	ssub.s32 $0x2, s3  }
0x7: {  	s3 =	sadd.s32 $0x2C00, s4;
	s5 =	sor.u32 s6, s5;
	_ =	strace $0x8000004A  }
0x8: {  	s31 =	sshrl.u32 s7, $0x1;
	s6 =	sshrl.u32 s5, $0x3;
	s5 =	sshll.u32 s5, $0x4  }
0x9: {  	s9 =	ssub.s32 s7, s31;
	s6 =	sadd.s32 s6, s4;
	s8 =	sadd.s32 s5, s4  }
0xa: {  	s4 =	sadd.s32 $0x2800, s6;
	s5 =	sadd.s32 $0x2400, s6;
	s6 =	sadd.s32 $0x1A9600, s8  }
0xb: {  	s7 =	sadd.s32 $0x1A9608, s8;
	s8 =	smax.u32 s9, $0x1;
	s9 =	simm.s32 $0x3  }
.LBB2_1:
0xc: {  	[tilespmem:s2], [sflag:$0x3] =	stream.linear.gather [hbm4b:s4+s2], $0x100, $0x38;
	[tilespmem:$0x10200] =	vst v63  }
0xd: {  	_ =	swait.ge [sflag:s9], $0x100  }
0xe: {  	[sflag:s9] =	ssyncset.done $0x0  }
0xf: {  	[sflag:s9] =	ssyncadd.s32 $0xFFFFFF00  }
0x10: {  	[tilespmem:s10], [sflag:$0x3] =	stream.linear.gather [hbm4b:s5+s2], $0x100, $0x38;
	[tilespmem:$0x10200] =	vst v63  }
0x11: {  	_ =	swait.ge [sflag:s9], $0x100  }
0x12: {  	[sflag:s9] =	ssyncset.done $0x0  }
0x13: {  	s15 =	simm.s32 $0x100;
	[sflag:s9] =	ssyncadd.s32 $0xFFFFFF00  }
0x14: {  	[tilespmem:s15], [sflag:$0x1] =	stream.indirect.gather [hbm4b:s3+s15], $0x80, s2, s15, $0xb8;
	[tilespmem:$0x10200] =	vst v63  }
0x15: {  	_ = 	snop  }
0x16: {  	[tilespmem:s11], [sflag:$0x2] =	stream.indirect.gather [hbm4b:s3+s15], $0x80, s10, s15, $0xb8;
	[tilespmem:$0x10200] =	vst v63  }
0x17: {  	_ =	swait.ge [sflag:s12], $0x8000  }
0x18: {  	s16 =	simm.s32 $0x10;
	[sflag:s12] =	ssyncset.done $0x0  }
0x19: {  	s18 =	sadd.s32 $0x0, s6;
	s17 =	simm.s32 $0x180;
	[sflag:s12] =	ssyncadd.s32 $0xFFFF8000  }
.LBB2_2:
0x1a: {  	[hbm4b:s18+s2] =	stream.linear.scatter [tilespmem:s15], [sflag:$0x3], $0x40, $0x38;
	[tilespmem:$0x10200] =	vst v63  }
0x1b: {  	s18 =	smov.u32 s16;
	s15 =	smov.u32 s17;
	p0 =	sne.s32 s16, $0xFF0  }
.Ltmp0:
0x1c: {  	s16 =	sadd.s32 $0x10, s16;
	(pc) =	sbr.rel @p0 .LBB2_2-.Ltmp0, $2  }
0x1d: {  	_ =	sdelay $0x2  }
0x1e: {  	s17 =	sadd.s32 $0x80, s17;
	s18 =	sadd.s32 s18, s6  }
0x1f: {  	[hbm4b:s18+s2] =	stream.linear.scatter [tilespmem:s15], [sflag:$0x3], $0x40, $0x38;
	[tilespmem:$0x10200] =	vst v63  }
0x20: {  	_ =	swait.ge [sflag:s9], $0x4000  }
0x21: {  	[sflag:s9] =	ssyncset.done $0x0  }
0x22: {  	[sflag:s9] =	ssyncadd.s32 $0xFFFFC000  }
0x23: {  	_ =	swait.ge [sflag:s13], $0x8000  }
0x24: {  	s15 =	simm.s32 $0x8240;
	s16 =	simm.s32 $0x10;
	[sflag:s13] =	ssyncset.done $0x0  }
0x25: {  	s18 =	sadd.s32 $0x0, s7;
	s17 =	simm.s32 $0x82C0;
	[sflag:s13] =	ssyncadd.s32 $0xFFFF8000  }
.LBB2_4:
0x26: {  	[hbm4b:s18+s2] =	stream.linear.scatter [tilespmem:s15], [sflag:$0x3], $0x40, $0x38;
	[tilespmem:$0x10200] =	vst v63  }
0x27: {  	s18 =	smov.u32 s16;
	s15 =	smov.u32 s17;
	p0 =	sne.s32 s16, $0xFF0  }
.Ltmp1:
0x28: {  	s16 =	sadd.s32 $0x10, s16;
	(pc) =	sbr.rel @p0 .LBB2_4-.Ltmp1, $2  }
0x29: {  	_ =	sdelay $0x2  }
0x2a: {  	s17 =	sadd.s32 $0x80, s17;
	s18 =	sadd.s32 s18, s7  }
0x2b: {  	s14 =	sadd.s32 $0x1, s14  }
0x2c: {  	p0 =	sne.s32 s14, s8  }
.Ltmp2:
0x2d: {  	_ = 	snop;
	(pc) =	sbr.rel @p0 .LBB2_1-.Ltmp2, $4  }
0x2e: {  	[hbm4b:s18+s2] =	stream.linear.scatter [tilespmem:s15], [sflag:$0x3], $0x40, $0x38;
	[tilespmem:$0x10200] =	vst v63  }
0x2f: {  	_ =	swait.ge [sflag:s9], $0x4000  }
0x30: {  	[sflag:s9] =	ssyncset.done $0x0  }
0x31: {  	[sflag:s9] =	ssyncadd.s32 $0xFFFFC000  }
0x32: {  	_ =	sfence.sel $0x180000  }
0x33: {  	[bflag:$0x0] =	sbarrier.arrive $0xFFFF  }
0x34: {  	p0 =	sne.s32 s1, $0x0;
	_ =	strace $0x9000004A  }
0x35: {  	s0 =	sadd.s32 @!p0 $0x100000, s0;
	[bflag:$0x2] =	sbarrier.arrive $0xFFFF  }
0x36: {  	[sflag:s0] =	ssyncadd.tile.s32 @!p0 $0x1;
	_ =	shalt  }
.Lfunc_end2:
_tile_overlayer_lowered:
.L_overlay_start_2:
0x37: {  	(tag) =	ssettag $0x2  }
0x38: {  	s0 =	rddreg [dreg:$0x0];
	s2 =	stileid.u32  }
0x39: {  	s1 =	rddreg [dreg:$0x1];
	p0 =	sne.s32 s2, $0x0  }
0x3a: {  	s3 =	rddreg [dreg:$0x2];
	[bflag:$0x3] =	sbarrier.arrive $0xFFFF;
	s2 =	simm.s32 @!p0 $0x1C03  }
0x3b: {  	[timem:s3], [sflag:s2] =	dma.local @!p0 [hbm:s0], s1  }
0x3c: {  	s0 =	simm.s32 @!p0 $0x3  }
0x3d: {  	_ =	swait.ge @!p0 [sflag:s0], s1  }
0x3e: {  	s1 =	ssub.s32 @!p0 $0x0, s1;
	[sflag:s0] =	ssyncset.done @!p0 $0x0  }
0x3f: {  	[sflag:s0] =	ssyncadd.s32 @!p0 s1  }
0x40: {  	[bflag:$0x3] =	sbarrier.arrive $0xFFFF  }
0x41: {  	_ =	shalt  }

// kernel: kernel.7.cloned.1.call-start
scs
__scs_entry_jumppad:
0x0: {  	(pc) =	sbr.rel $0x88, $3  }
0x1: {  	(tag) =	ssettag $0x0;
	lr =	simm.s32 $0x1  }
0x2: {  	[smem:$0x3F98] =	sst lr;
	_ =	strace $0xD0000000  }
0x3: {  	_ = 	snop  }
0x4: {  	_ = 	snop  }
0x5: {  	_ = 	snop  }
0x6: {  	_ = 	snop  }
0x7: {  	_ = 	snop  }
__scs_overlays_trampoline_lowered:
0x8: {  	[smem:$0x3FA7] =	sst s0  }
0x9: {  	[smem:$0x3FA8] =	sst s1  }
0xa: {  	[smem:$0x3FA9] =	sst s2  }
0xb: {  	[smem:$0x3FAA] =	sst s3  }
0xc: {  	[smem:$0x3FAB] =	sst s4  }
0xd: {  	[smem:$0x3FAC] =	sst s5  }
0xe: {  	[smem:$0x3FAD] =	sst s6  }
0xf: {  	[smem:$0x3FAE] =	sst s7  }
0x10: {  	[smem:$0x3FAF] =	sst s8  }
0x11: {  	[smem:$0x3FB0] =	sst s9;
	s0 =	simm.s32 @!p0 $0x0  }
0x12: {  	s1 =	sld [smem:$0x3F96];
	s0 =	simm.s32 @p0 $0x1  }
0x13: {  	[smem:$0x3FB1] =	sst s0;
	s0 =	simm.s32 @!p1 $0x0  }
0x14: {  	s2 =	sld [smem:$0x3F95];
	s0 =	simm.s32 @p1 $0x1  }
0x15: {  	[smem:$0x3FB2] =	sst s0;
	s0 =	simm.s32 @!p2 $0x0  }
0x16: {  	s3 =	sld [smem:$0x3FDB];
	s0 =	simm.s32 @p2 $0x1  }
0x17: {  	s4 =	simm.s32 $0x1BF5;
	[smem:$0x3FB4] =	sst s0  }
0x18: {  	s0 =	sld [smem:$0x3F97];
	_ =	swait.ge [sflag:s4], $0x0  }
0x19: {  	s7 =	sld [smem:$0x3F98]  }
0x1a: {  	s8 =	sadd.s32 $0xFFFFE003, lr  }
0x1b: {  	s9 =	sadd.s32 $0xFFFFFEF7, lr;
	s5 =	simm.s32 $0xFFFFFFFF;
	p2 =	slt.u32 s8, $0xFFFFF086  }
0x1c: {  	p1 =	slt.u32 s9, $0xF7A;
	s5 =	simm.s32 @!p2 $0x0  }
0x1d: {  	s5 =	simm.s32 @p1 $0x1;
	p0 =	seq.s32 s7, s2  }
0x1e: {  	s7 =	smul.u32 @!p0 $0xF7A, s2;
	p2 =	seq.s32 @!p0 s5, $0x0  }
0x1f: {  	s9 =	smul.u32 $0xF7A, s1;
	s8 =	simm.s32 @!p0 $0x1BF5;
	p2 =	por !p2, p0  }
0x20: {  	[sflag:s8] =	ssyncset.s32 @!p0 $0xFFFFF086;
	s6 =	sadd.s32 @!p0 s3, s7;
	s7 =	simm.s32 @!p0 $0x108  }
0x21: {  	s3 =	sadd.s32 s3, s9;
	s6 =	sadd.s32 @!p0 $0x88, s6;
	s7 =	simm.s32 @p2 $0x1082  }
0x22: {  	[simem:s7], [sflag:s8] =	dma.local @!p0 [hbm:s6], $0xF7A  }
0x23: {  	s9 =	sor.u32 $0xD0000000, s2;
	s6 =	simm.s32 $0x108;
	_ =	swait.ge @!p0 [sflag:s8], $0x0  }
0x24: {  	s3 =	sadd.s32 $0x88, s3;
	s6 =	simm.s32 @!p1 $0x1082;
	[sflag:s4] =	ssyncset.s32 $0xFFFFF086  }
0x25: {  	[simem:s6], [sflag:s4] =	dma.local [hbm:s3], $0xF7A  }
0x26: {  	[smem:$0x3F98] =	sst s1;
	(tag) =	ssettag s2;
	_ =	strace s9  }
0x27: {  	s1 =	sld [smem:$0x3FA8]  }
0x28: {  	s2 =	sld [smem:$0x3FA9]  }
0x29: {  	s4 =	sld [smem:$0x3FAB]  }
0x2a: {  	p0 =	seq.s32 s5, $0x0;
	s5 =	sld [smem:$0x3FAC]  }
0x2b: {  	s6 =	sld [smem:$0x3FAD]  }
0x2c: {  	s7 =	sld [smem:$0x3FAE]  }
0x2d: {  	s3 =	simm.s32 $0x108;
	s8 =	sld [smem:$0x3FAF]  }
0x2e: {  	s3 =	simm.s32 @!p0 $0x1082;
	s9 =	sld [smem:$0x3FB0]  }
0x2f: {  	lr =	sadd.s32 s0, s3;
	s0 =	sld [smem:$0x3FA7]  }
0x30: {  	s3 =	sld [smem:$0x3FAA]  }
0x31: {  	[smem:$0x3FB3] =	sst s10  }
0x32: {  	s10 =	sld [smem:$0x3FB1];
	_ =	sdelay $0x3  }
0x33: {  	p0 =	seq.s32 s10, $0x1;
	s10 =	sld [smem:$0x3FB3];
	_ =	sdelay $0x3  }
0x34: {  	[smem:$0x3FB3] =	sst s10  }
0x35: {  	s10 =	sld [smem:$0x3FB2];
	_ =	sdelay $0x3  }
0x36: {  	p1 =	seq.s32 s10, $0x1;
	s10 =	sld [smem:$0x3FB3];
	_ =	sdelay $0x3  }
0x37: {  	[smem:$0x3FB3] =	sst s10  }
0x38: {  	s10 =	sld [smem:$0x3FB4]  }
0x39: {  	_ = 	snop;
	(pc) =	sbr.ind lr, $3  }
0x3a: {  	_ = 	snop  }
0x3b: {  	_ = 	snop  }
0x3c: {  	p2 =	seq.s32 s10, $0x1;
	s10 =	sld [smem:$0x3FB3]  }
0x3d: {  	_ =	shalt  }
0x3e: {  	_ =	shalt  }
0x3f: {  	_ =	shalt  }
0x40: {  	_ =	shalt  }
0x41: {  	_ =	shalt  }
0x42: {  	_ =	shalt  }
0x43: {  	_ =	shalt  }
0x44: {  	_ =	shalt  }
0x45: {  	_ =	shalt  }
0x46: {  	_ =	shalt  }
0x47: {  	_ =	shalt  }
0x48: {  	_ =	shalt  }
0x49: {  	_ =	shalt  }
0x4a: {  	_ =	shalt  }
0x4b: {  	_ =	shalt  }
0x4c: {  	_ =	shalt  }
0x4d: {  	_ =	shalt  }
0x4e: {  	_ =	shalt  }
0x4f: {  	_ =	shalt  }
0x50: {  	_ =	shalt  }
0x51: {  	_ =	shalt  }
0x52: {  	_ =	shalt  }
0x53: {  	_ =	shalt  }
0x54: {  	_ =	shalt  }
0x55: {  	_ =	shalt  }
0x56: {  	_ =	shalt  }
0x57: {  	_ =	shalt  }
0x58: {  	_ =	shalt  }
0x59: {  	_ =	shalt  }
0x5a: {  	_ =	shalt  }
0x5b: {  	_ =	shalt  }
0x5c: {  	_ =	shalt  }
0x5d: {  	_ =	shalt  }
0x5e: {  	_ =	shalt  }
0x5f: {  	_ =	shalt  }
0x60: {  	_ =	shalt  }
0x61: {  	_ =	shalt  }
0x62: {  	_ =	shalt  }
0x63: {  	_ =	shalt  }
0x64: {  	_ =	shalt  }
0x65: {  	_ =	shalt  }
0x66: {  	_ =	shalt  }
0x67: {  	_ =	shalt  }
0x68: {  	_ =	shalt  }
0x69: {  	_ =	shalt  }
0x6a: {  	_ =	shalt  }
0x6b: {  	_ =	shalt  }
0x6c: {  	_ =	shalt  }
0x6d: {  	_ =	shalt  }
0x6e: {  	_ =	shalt  }
0x6f: {  	_ =	shalt  }
0x70: {  	_ =	shalt  }
0x71: {  	_ =	shalt  }
0x72: {  	_ =	shalt  }
0x73: {  	_ =	shalt  }
0x74: {  	_ =	shalt  }
0x75: {  	_ =	shalt  }
0x76: {  	_ =	shalt  }
0x77: {  	_ =	shalt  }
0x78: {  	_ =	shalt  }
0x79: {  	_ =	shalt  }
0x7a: {  	_ =	shalt  }
0x7b: {  	_ =	shalt  }
0x7c: {  	_ =	shalt  }
0x7d: {  	_ =	shalt  }
0x7e: {  	_ =	shalt  }
0x7f: {  	_ =	shalt  }
0x80: {  	_ =	shalt  }
0x81: {  	_ =	shalt  }
0x82: {  	_ =	shalt  }
0x83: {  	_ =	shalt  }
0x84: {  	_ =	shalt  }
0x85: {  	_ =	shalt  }
0x86: {  	_ =	shalt  }
0x87: {  	_ =	shalt  }
.Lfunc_end0:
.L_simem_size_0:
called_computation_lowered:
.L_overlay_start_0:
0x88: {  	s2 =	sld [smem:$0x3FD9]  }
0x89: {  	s3 =	sld [smem:$0x3FFE];
	_ =	sdelay $0x1  }
0x8a: {  	s1 =	srdreg.scid  }
0x8b: {  	s0 =	sand.u32 $0x1, s1  }
0x8c: {  	s17 =	sshll.u32 s0, $0xA;
	s2 =	sadd.s32 s3, s2  }
0x8d: {  	s2 =	sadd.s32 s2, s17  }
0x8e: {  	[smem:$0x3FBF] =	sst s2  }
0x8f: {  	_ = 	snop  }
0x90: {  	s2 =	sld [smem:$0x3FD0];
	(tm) =	ssettm $0x1  }
0x91: {  	s18 =	sld [smem:$0x3FFB];
	_ =	sdelay $0x3  }
0x92: {  	_ =	strace s18  }
0x93: {  	s3 =	sld [smem:$0x3FFC];
	_ =	sdelay $0x3  }
0x94: {  	_ =	strace s3  }
0x95: {  	s3 =	sld [smem:$0x3FFD];
	_ =	sdelay $0x3  }
0x96: {  	_ =	strace s3  }
0x97: {  	_ =	strace $0x8FFFFFFF  }
0x98: {  	s19 =	sld [smem:$0x3FDB];
	_ =	sdelay $0x1  }
0x99: {  	s4 =	simm.s32 $_scs_section_size  }
0x9a: {  	s5 =	simm.s32 $_size__tile_overlayer_lowered;
	s6 =	simm.s32 $_tile_overlayer_lowered  }
0x9b: {  	s22 =	simm.s32 $0x1BFF;
	s21 =	sshll.u32 s6, $0x1;
	s3 =	sadd.s32 s4, s19  }
0x9c: {  	s7 =	simm.s32 $0x0;
	s20 =	sshll.u32 s5, $0x1;
	s5 =	sadd.s32 s21, s3  }
0x9d: {  	[timem:s7], [sflag:s22] =	dma.local [hbm:s5], s20  }
0x9e: {  	_ =	swait.ge [sflag:s22], s20  }
0x9f: {  	s4 =	ssub.s32 $0x0, s20;
	[sflag:s22] =	ssyncset.done $0x0  }
0xa0: {  	[sflag:s22] =	ssyncadd.s32 s4;
	_ =	sdelay $0x1  }
0xa1: {  	s23 =	simm.s32 $0x1B8B  }
0xa2: {  	_ =	swait.ge [sflag:s23], $0x1  }
0xa3: {  	[sflag:s23] =	ssyncset.done $0x0  }
0xa4: {  	s25 =	simm.s32 $0x1B8E;
	s24 =	sld [smem:$0x3FFE];
	[sflag:s23] =	ssyncadd.s32 $0xFFFFFFFF  }
0xa5: {  	s26 =	simm.s32 $execute0_lowered;
	[smem:$0x3FD2] =	sst s25  }
0xa6: {  	s5 =	sshll.u32 s26, $0x1;
	_ =	strace $0x80000046;
	[dreg:$0x1] =	wrdreg $0xFFFFFFFF  }
0xa7: {  	s28 =	simm.s32 $_size_execute0_lowered;
	s3 =	sadd.s32 s3, s5;
	[dreg:$0x0] =	wrdreg $0x0  }
0xa8: {  	s5 =	sshll.u32 s28, $0x1;
	[dreg:$0x2] =	wrdreg s3  }
0xa9: {  	[dreg:$0x3] =	wrdreg s5  }
0xaa: {  	[dreg:$0x4] =	wrdreg $0xC0  }
0xab: {  	_ =	task [dreg:s7], $0x5FFFF  }
0xac: {  	[dreg:$0x1] =	wrdreg $0xFFFFFFFF  }
0xad: {  	[dreg:$0x0] =	wrdreg $0x60  }
0xae: {  	[dreg:$0x2] =	wrdreg s2  }
0xaf: {  	[dreg:$0x3] =	wrdreg s24  }
0xb0: {  	[dreg:$0x4] =	wrdreg $0x9  }
0xb1: {  	_ =	task.clear_ibuf [dreg:s7], $0x5FFFF;
	_ =	strace $0x90000046  }
0xb2: {  	s29 =	simm.s32 $0x9;
	_ =	strace $0x80000048  }
0xb3: {  	_ =	swait.ge [sflag:s29], $0x1  }
0xb4: {  	[sflag:s29] =	ssyncadd.s32 $0xFFFFFFFF  }
0xb5: {  	_ =	strace $0x90000048  }
0xb6: {  	_ =	sfence  }
0xb7: {  	s30 =	sld [smem:$0x0];
	_ =	sdelay $0x2  }
0xb8: {  	s31 =	sshll.u32 s1, $0xD;
	s1 =	sshrl.u32 s1, $0x2  }
0xb9: {  	s3 =	sand.u32 $0x4000, s31;
	s1 =	sadd.s32 s1, s30  }
0xba: {  	s0 =	sor.u32 s3, s0;
	s1 =	sshll.u32 s1, $0x11  }
0xbb: {  	s0 =	sor.u32 s1, s0  }
0xbc: {  	s0 =	sadd.s32 $0x8F2B, s0  }
0xbd: {  	[sflag:s0] =	ssyncadd.remote.s32 $0x1  }
0xbe: {  	_ =	sfence.sel $0xFFFF  }
0xbf: {  	[dreg:$0x0] =	wrdreg $0xFFFFFFFF;
	(pc) =	sbr.abs _section_cstart, $3  }
0xc0: {  	[dreg:$0x1] =	wrdreg $0xFFFFFFFF  }
0xc1: {  	_ =	task.clear_ibuf [dreg:s7], $0x2FFFF;
	_ =	strace $0x9FFFFFFF  }
0xc2: {  	(tm) =	ssettm $0x7FFFFFFF  }
0xc3: {  	_ =	shalt  }
tec
execute0_lowered:
.L_overlay_start_1:
0x0: {  	(tag) =	ssettag $0x1  }
0x1: {  	s4 =	rddreg [dreg:$0x0]  }
0x2: {  	s5 =	rddreg [dreg:$0x1]  }
0x3: {  	s2 =	srdreg.scid;
	s0 =	rddreg [dreg:$0x2]  }
0x4: {  	s1 =	stileid.u32;
	s11 =	simm.s32 $0x8200;
	s12 =	simm.s32 $0x1  }
0x5: {  	s13 =	simm.s32 $0x2;
	s14 =	simm.s32 $0x0;
	s3 =	sand.u32 $0x1, s2  }
0x6: {  	s2 =	simm.s32 $0x0;
	s6 =	sshll.u32 s1, $0x9;
	s7 =	sshll.u32 s3, $0x8  }
0x7: {  	[smem:$0x7FF] =	sst s2;
	s9 =	ssub.s32 $0x2, s3;
	s6 =	sor.u32 s7, s6  }
0x8: {  	s3 =	sadd.s32 $0x2C00, s5;
	_ =	strace $0x80000047;
	s7 =	sshrl.u32 s6, $0x3  }
0x9: {  	s31 =	sshrl.u32 s9, $0x1;
	s6 =	sshll.u32 s6, $0x4;
	s8 =	sadd.s32 s7, s5  }
0xa: {  	s9 =	ssub.s32 s9, s31;
	s10 =	sadd.s32 s6, s5;
	s5 =	sadd.s32 $0x2000, s8  }
0xb: {  	s4 =	sadd.s32 s4, s7;
	s6 =	sadd.s32 $0x189600, s10;
	s7 =	sadd.s32 $0x189608, s10  }
0xc: {  	s8 =	smax.u32 s9, $0x1;
	s9 =	simm.s32 $0x3;
	s10 =	simm.s32 $0x8100  }
.LBB2_1:
0xd: {  	[tilespmem:s2], [sflag:$0x3] =	stream.linear.gather [hbm4b:s4+s2], $0x100, $0x38;
	[tilespmem:$0x10200] =	vst v63  }
0xe: {  	_ =	swait.ge [sflag:s9], $0x100  }
0xf: {  	[sflag:s9] =	ssyncset.done $0x0  }
0x10: {  	[sflag:s9] =	ssyncadd.s32 $0xFFFFFF00  }
0x11: {  	[tilespmem:s10], [sflag:$0x3] =	stream.linear.gather [hbm4b:s5+s2], $0x100, $0x38;
	[tilespmem:$0x10200] =	vst v63  }
0x12: {  	_ =	swait.ge [sflag:s9], $0x100  }
0x13: {  	[sflag:s9] =	ssyncset.done $0x0  }
0x14: {  	s15 =	simm.s32 $0x100;
	[sflag:s9] =	ssyncadd.s32 $0xFFFFFF00  }
0x15: {  	[tilespmem:s15], [sflag:$0x1] =	stream.indirect.gather [hbm4b:s3+s15], $0x80, s2, s15, $0xb8;
	[tilespmem:$0x10200] =	vst v63  }
0x16: {  	_ = 	snop  }
0x17: {  	[tilespmem:s11], [sflag:$0x2] =	stream.indirect.gather [hbm4b:s3+s15], $0x80, s10, s15, $0xb8;
	[tilespmem:$0x10200] =	vst v63  }
0x18: {  	_ =	swait.ge [sflag:s12], $0x8000  }
0x19: {  	s16 =	simm.s32 $0x10;
	[sflag:s12] =	ssyncset.done $0x0  }
0x1a: {  	s18 =	sadd.s32 $0x0, s6;
	s17 =	simm.s32 $0x180;
	[sflag:s12] =	ssyncadd.s32 $0xFFFF8000  }
.LBB2_2:
0x1b: {  	[hbm4b:s18+s2] =	stream.linear.scatter [tilespmem:s15], [sflag:$0x3], $0x40, $0x38;
	[tilespmem:$0x10200] =	vst v63  }
0x1c: {  	s18 =	smov.u32 s16;
	s15 =	smov.u32 s17;
	p0 =	sne.s32 s16, $0xFF0  }
.Ltmp0:
0x1d: {  	s16 =	sadd.s32 $0x10, s16;
	(pc) =	sbr.rel @p0 .LBB2_2-.Ltmp0, $2  }
0x1e: {  	_ =	sdelay $0x2  }
0x1f: {  	s17 =	sadd.s32 $0x80, s17;
	s18 =	sadd.s32 s18, s6  }
0x20: {  	[hbm4b:s18+s2] =	stream.linear.scatter [tilespmem:s15], [sflag:$0x3], $0x40, $0x38;
	[tilespmem:$0x10200] =	vst v63  }
0x21: {  	_ =	swait.ge [sflag:s9], $0x4000  }
0x22: {  	[sflag:s9] =	ssyncset.done $0x0  }
0x23: {  	[sflag:s9] =	ssyncadd.s32 $0xFFFFC000  }
0x24: {  	_ =	swait.ge [sflag:s13], $0x8000  }
0x25: {  	s15 =	simm.s32 $0x8240;
	s16 =	simm.s32 $0x10;
	[sflag:s13] =	ssyncset.done $0x0  }
0x26: {  	s18 =	sadd.s32 $0x0, s7;
	s17 =	simm.s32 $0x82C0;
	[sflag:s13] =	ssyncadd.s32 $0xFFFF8000  }
.LBB2_4:
0x27: {  	[hbm4b:s18+s2] =	stream.linear.scatter [tilespmem:s15], [sflag:$0x3], $0x40, $0x38;
	[tilespmem:$0x10200] =	vst v63  }
0x28: {  	s18 =	smov.u32 s16;
	s15 =	smov.u32 s17;
	p0 =	sne.s32 s16, $0xFF0  }
.Ltmp1:
0x29: {  	s16 =	sadd.s32 $0x10, s16;
	(pc) =	sbr.rel @p0 .LBB2_4-.Ltmp1, $2  }
0x2a: {  	_ =	sdelay $0x2  }
0x2b: {  	s17 =	sadd.s32 $0x80, s17;
	s18 =	sadd.s32 s18, s7  }
0x2c: {  	s14 =	sadd.s32 $0x1, s14  }
0x2d: {  	p0 =	sne.s32 s14, s8  }
.Ltmp2:
0x2e: {  	_ = 	snop;
	(pc) =	sbr.rel @p0 .LBB2_1-.Ltmp2, $4  }
0x2f: {  	[hbm4b:s18+s2] =	stream.linear.scatter [tilespmem:s15], [sflag:$0x3], $0x40, $0x38;
	[tilespmem:$0x10200] =	vst v63  }
0x30: {  	_ =	swait.ge [sflag:s9], $0x4000  }
0x31: {  	[sflag:s9] =	ssyncset.done $0x0  }
0x32: {  	[sflag:s9] =	ssyncadd.s32 $0xFFFFC000  }
0x33: {  	_ =	sfence.sel $0x180000  }
0x34: {  	[bflag:$0x0] =	sbarrier.arrive $0xFFFF  }
0x35: {  	p0 =	sne.s32 s1, $0x0;
	_ =	strace $0x90000047  }
0x36: {  	s0 =	sadd.s32 @!p0 $0x100000, s0;
	[bflag:$0x2] =	sbarrier.arrive $0xFFFF  }
0x37: {  	[sflag:s0] =	ssyncadd.tile.s32 @!p0 $0x1;
	_ =	shalt  }
.Lfunc_end2:
_tile_overlayer_lowered:
.L_overlay_start_2:
0x38: {  	(tag) =	ssettag $0x2  }
0x39: {  	s0 =	rddreg [dreg:$0x0];
	s2 =	stileid.u32  }
0x3a: {  	s1 =	rddreg [dreg:$0x1];
	p0 =	sne.s32 s2, $0x0  }
0x3b: {  	s3 =	rddreg [dreg:$0x2];
	[bflag:$0x3] =	sbarrier.arrive $0xFFFF;
	s2 =	simm.s32 @!p0 $0x1C03  }
0x3c: {  	[timem:s3], [sflag:s2] =	dma.local @!p0 [hbm:s0], s1  }
0x3d: {  	s0 =	simm.s32 @!p0 $0x3  }
0x3e: {  	_ =	swait.ge @!p0 [sflag:s0], s1  }
0x3f: {  	s1 =	ssub.s32 @!p0 $0x0, s1;
	[sflag:s0] =	ssyncset.done @!p0 $0x0  }
0x40: {  	[sflag:s0] =	ssyncadd.s32 @!p0 s1  }
0x41: {  	[bflag:$0x3] =	sbarrier.arrive $0xFFFF  }
0x42: {  	_ =	shalt  }

</sc_bundles>
